<compile_context>
chip_gen: v7x
topology: tpu7x:2x2x1
jax: 0.10.2.dev20260603
libtpu: 0.0.44.dev20260713+nightly
codegen_flags: <defaults>
</compile_context>

<pallas_src>
import functools

import jax
import jax.numpy as jnp
from jax import lax
from jax.experimental import pallas as pl
from jax.experimental.pallas import tpu as pltpu
from jax.experimental.pallas import tpu_sc as plsc

B = 4096
L = 200
H = 128
N = B * L
CHUNK = 128
NC = 2
NS = 16
NW = NC * NS
ROWS_PER_W = N // NW
CHUNKS_PER_W = ROWS_PER_W // CHUNK
N_CHUNK_ROWS = N // CHUNK


NB = 5


def _sc_gather(idx2d, table):
    mesh = plsc.VectorSubcoreMesh(core_axis_name="c", subcore_axis_name="s")

    @functools.partial(
        pl.kernel,
        mesh=mesh,
        out_type=jax.ShapeDtypeStruct((N, H), jnp.float32),
        scratch_types=[
            pltpu.VMEM((CHUNKS_PER_W, CHUNK), jnp.int32),
            pltpu.VMEM((NB, CHUNK, H), jnp.float32),
        ] + [pltpu.SemaphoreType.DMA] * (2 * NB),
    )
    def k(idx_hbm, table_hbm, out_hbm, idx_v, rows_v, *sems):
        gsem, wsem = sems[:NB], sems[NB:]
        wid = lax.axis_index("s") * NC + lax.axis_index("c")
        cbase = wid * CHUNKS_PER_W
        pltpu.sync_copy(idx_hbm.at[pl.ds(cbase, CHUNKS_PER_W)], idx_v)

        def fire_gather(j, b):
            pltpu.async_copy(table_hbm.at[idx_v.at[j]], rows_v.at[b], gsem[b])

        def wait_gather(j, b):
            pltpu.make_async_copy(
                table_hbm.at[idx_v.at[j]], rows_v.at[b], gsem[b]).wait()

        def fire_write(j, b):
            pltpu.async_copy(
                rows_v.at[b], out_hbm.at[pl.ds((cbase + j) * CHUNK, CHUNK)],
                wsem[b])

        def wait_write(b):
            pltpu.make_async_copy(
                rows_v.at[b], out_hbm.at[pl.ds(cbase * CHUNK, CHUNK)],
                wsem[b]).wait()

        for b in range(NB - 1):
            fire_gather(b, b)

        def body(g, carry):
            for b in range(NB):
                j = g * NB + b
                jn = j + NB - 1
                bf = (b + NB - 1) % NB
                can_fire = jn < CHUNKS_PER_W
                wait_cond = (jnp.logical_and(g >= 1, can_fire)
                             if b == 0 else can_fire)

                @pl.when(wait_cond)
                def _():
                    wait_write(bf)

                @pl.when(can_fire)
                def _():
                    fire_gather(jn, bf)

                wait_gather(j, b)
                fire_write(j, b)
            return carry

        lax.fori_loop(0, CHUNKS_PER_W // NB, body, 0)
        for b in range(NB):
            wait_write(b)

    return k(idx2d, table)


def kernel(s_e_d_w_embeddings, table):
    idx2d = s_e_d_w_embeddings.reshape(N_CHUNK_ROWS, CHUNK)
    out = _sc_gather(idx2d, table)
    return out.reshape(B, L, H)

# --- scband reference (transcript-rebuilt; emitter-appended) ---
"""Pipeline reference for scband-desc-embedding-layer-37744172597644 (READ-ONLY COPY).

The authoritative reference and input builder live on the scoring server;
editing this copy changes nothing except your own understanding.
"""

import jax, jax.numpy as jnp
import numpy as np

VOCAB = 100000 + 1  # wordNum + 1 (padding row at index 0)
H_DIM = 128
B = 4096
L = 200


def setup_inputs(seed: int = 0) -> dict:
    key = jax.random.key(seed)
    k_idx, k_tab = jax.random.split(key)
    indices = jax.random.randint(k_idx, (B, L), 0, VOCAB, dtype=jnp.int32)
    table = jax.random.normal(k_tab, (VOCAB, H_DIM), dtype=jnp.float32) * 0.02
    # padding_idx=0: that embedding row is zero
    table = table.at[0].set(0.0)
    return {"s_e_d_w_embeddings": indices, "table": table}


def reference(s_e_d_w_embeddings, table):
    # torch.stack([emb(words) for words in x]) over rows of a [B, L] tensor
    # is equivalent to emb(x) -> [B, L, H].
    # Enforce padding_idx=0 semantics (row 0 is zero).
    tab = table.at[0].set(0.0)
    embeddings = jnp.take(tab, s_e_d_w_embeddings, axis=0)
    return embeddings

if __name__ == "__main__":
    import jax
    _d = setup_inputs()
    print(jax.jit(kernel)(*tuple(_d.values())))

</pallas_src>

<mosaic_0001>
#map = affine_map<(d0, d1) -> (0, 0)>
module attributes {stable_mosaic.version = 14 : i64} {
  func.func @k(%arg0: i32, %arg1: i32, %arg2: memref<6400x128xi32, #tpu.memory_space<hbm>>, %arg3: memref<100001x128xf32, #tpu.memory_space<hbm>>, %arg4: memref<819200x128xf32, #tpu.memory_space<hbm>>, %arg5: memref<200x128xi32, #tpu.memory_space<vmem>>, %arg6: memref<5x128x128xf32, #tpu.memory_space<vmem>>, %arg7: memref<!tpu.dma_semaphore, #tpu.memory_space<semaphore_mem>>, %arg8: memref<!tpu.dma_semaphore, #tpu.memory_space<semaphore_mem>>, %arg9: memref<!tpu.dma_semaphore, #tpu.memory_space<semaphore_mem>>, %arg10: memref<!tpu.dma_semaphore, #tpu.memory_space<semaphore_mem>>, %arg11: memref<!tpu.dma_semaphore, #tpu.memory_space<semaphore_mem>>, %arg12: memref<!tpu.dma_semaphore, #tpu.memory_space<semaphore_mem>>, %arg13: memref<!tpu.dma_semaphore, #tpu.memory_space<semaphore_mem>>, %arg14: memref<!tpu.dma_semaphore, #tpu.memory_space<semaphore_mem>>, %arg15: memref<!tpu.dma_semaphore, #tpu.memory_space<semaphore_mem>>, %arg16: memref<!tpu.dma_semaphore, #tpu.memory_space<semaphore_mem>>) attributes {dimension_semantics = [#tpu.dimension_semantics<core_parallel>, #tpu.dimension_semantics<subcore_parallel>], iteration_bounds = array<i64: 2, 16>, scalar_prefetch = 0 : i64, scratch_operands = 12 : i64, tpu.core_type = #tpu.core_type<sc_vector_subcore>, window_params = [{transform_indices = #map}, {transform_indices = #map}, {transform_indices = #map}]} {
    %mul3A = arith.constant 2 : i32
    %mul3A_0 = arith.muli %arg1, %mul3A : i32
    %add3A = arith.addi %mul3A_0, %arg0 : i32
    %mul3A_1 = arith.constant 200 : i32
    %mul3A_2 = arith.muli %add3A, %mul3A_1 : i32
    "tpu.region"() ({
      %run_scoped3A = tpu.sem_alloc : memref<!tpu.dma_semaphore, #tpu.memory_space<semaphore_mem>>
      %dma_start3A_129 = arith.constant 0 : i32
      %dma_start3A_130 = tpu.memref_slice %arg2[%mul3A_2, %dma_start3A_129] : memref<6400x128xi32, #tpu.memory_space<hbm>> -> memref<200x128xi32, #tpu.memory_space<hbm>>
      %dma_start3A_131 = arith.constant 0 : i32
      %dma_start3A_132 = tpu.memref_slice %arg2[%mul3A_2, %dma_start3A_131] : memref<6400x128xi32, #tpu.memory_space<hbm>> -> memref<200x128xi32, #tpu.memory_space<hbm>>
      tpu.enqueue_dma source(%dma_start3A_132 : memref<200x128xi32, #tpu.memory_space<hbm>>) target(%arg5 : memref<200x128xi32, #tpu.memory_space<vmem>>) target_semaphore(%run_scoped3A : memref<!tpu.dma_semaphore, #tpu.memory_space<semaphore_mem>>)
      %dma_wait3A_133 = arith.constant 0 : i32
      %dma_wait3A_134 = tpu.memref_slice %arg2[%mul3A_2, %dma_wait3A_133] : memref<6400x128xi32, #tpu.memory_space<hbm>> -> memref<200x128xi32, #tpu.memory_space<hbm>>
      %dma_wait3A_135 = arith.constant 0 : i32
      %dma_wait3A_136 = tpu.memref_slice %arg2[%mul3A_2, %dma_wait3A_135] : memref<6400x128xi32, #tpu.memory_space<hbm>> -> memref<200x128xi32, #tpu.memory_space<hbm>>
      tpu.wait_dma2 semaphore(%run_scoped3A : memref<!tpu.dma_semaphore, #tpu.memory_space<semaphore_mem>>) src(%dma_wait3A_136 : memref<200x128xi32, #tpu.memory_space<hbm>>) dst(%arg5 : memref<200x128xi32, #tpu.memory_space<vmem>>)
      tpu.yield
    }) : () -> ()
    %dma_start3A = arith.constant 0 : i32
    %dma_start3A_3 = arith.constant 0 : i32
    %dma_start3A_4 = arith.constant 0 : i32
    %dma_start3A_5 = arith.constant 0 : i32
    %dma_start3A_6 = tpu.memref_slice %arg6[%dma_start3A_3, %dma_start3A_4, %dma_start3A_5] : memref<5x128x128xf32, #tpu.memory_space<vmem>> -> memref<1x128x128xf32, #tpu.memory_space<vmem>>
    %dma_start3A_7 = tpu.memref_squeeze %dma_start3A_6 : memref<1x128x128xf32, #tpu.memory_space<vmem>> -> memref<128x128xf32, #tpu.memory_space<vmem>>
    %dma_start3A_8 = arith.constant 0 : i32
    %dma_start3A_9 = tpu.memref_slice %arg5[%dma_start3A, %dma_start3A_8] : memref<200x128xi32, #tpu.memory_space<vmem>> -> memref<1x128xi32, #tpu.memory_space<vmem>>
    %dma_start3A_10 = tpu.memref_squeeze %dma_start3A_9 : memref<1x128xi32, #tpu.memory_space<vmem>> -> memref<128xi32, #tpu.memory_space<vmem>>
    %dma_start3A_11 = arith.constant 0 : i32
    %dma_start3A_12 = arith.constant 0 : i32
    %dma_start3A_13 = tpu.memref_slice %arg3[%dma_start3A_11, %dma_start3A_12] : memref<100001x128xf32, #tpu.memory_space<hbm>> -> memref<100001x128xf32, #tpu.memory_space<hbm>>
    tpu.enqueue_indirect_dma source(%dma_start3A_13 : memref<100001x128xf32, #tpu.memory_space<hbm>>) target(%dma_start3A_7 : memref<128x128xf32, #tpu.memory_space<vmem>>) offsets(%dma_start3A_10 : memref<128xi32, #tpu.memory_space<vmem>>) semaphore(%arg7 : memref<!tpu.dma_semaphore, #tpu.memory_space<semaphore_mem>>)
    %dma_start3A_14 = arith.constant 1 : i32
    %dma_start3A_15 = arith.constant 1 : i32
    %dma_start3A_16 = arith.constant 0 : i32
    %dma_start3A_17 = arith.constant 0 : i32
    %dma_start3A_18 = tpu.memref_slice %arg6[%dma_start3A_15, %dma_start3A_16, %dma_start3A_17] : memref<5x128x128xf32, #tpu.memory_space<vmem>> -> memref<1x128x128xf32, #tpu.memory_space<vmem>>
    %dma_start3A_19 = tpu.memref_squeeze %dma_start3A_18 : memref<1x128x128xf32, #tpu.memory_space<vmem>> -> memref<128x128xf32, #tpu.memory_space<vmem>>
    %dma_start3A_20 = arith.constant 0 : i32
    %dma_start3A_21 = tpu.memref_slice %arg5[%dma_start3A_14, %dma_start3A_20] : memref<200x128xi32, #tpu.memory_space<vmem>> -> memref<1x128xi32, #tpu.memory_space<vmem>>
    %dma_start3A_22 = tpu.memref_squeeze %dma_start3A_21 : memref<1x128xi32, #tpu.memory_space<vmem>> -> memref<128xi32, #tpu.memory_space<vmem>>
    %dma_start3A_23 = arith.constant 0 : i32
    %dma_start3A_24 = arith.constant 0 : i32
    %dma_start3A_25 = tpu.memref_slice %arg3[%dma_start3A_23, %dma_start3A_24] : memref<100001x128xf32, #tpu.memory_space<hbm>> -> memref<100001x128xf32, #tpu.memory_space<hbm>>
    tpu.enqueue_indirect_dma source(%dma_start3A_25 : memref<100001x128xf32, #tpu.memory_space<hbm>>) target(%dma_start3A_19 : memref<128x128xf32, #tpu.memory_space<vmem>>) offsets(%dma_start3A_22 : memref<128xi32, #tpu.memory_space<vmem>>) semaphore(%arg8 : memref<!tpu.dma_semaphore, #tpu.memory_space<semaphore_mem>>)
    %dma_start3A_26 = arith.constant 2 : i32
    %dma_start3A_27 = arith.constant 2 : i32
    %dma_start3A_28 = arith.constant 0 : i32
    %dma_start3A_29 = arith.constant 0 : i32
    %dma_start3A_30 = tpu.memref_slice %arg6[%dma_start3A_27, %dma_start3A_28, %dma_start3A_29] : memref<5x128x128xf32, #tpu.memory_space<vmem>> -> memref<1x128x128xf32, #tpu.memory_space<vmem>>
    %dma_start3A_31 = tpu.memref_squeeze %dma_start3A_30 : memref<1x128x128xf32, #tpu.memory_space<vmem>> -> memref<128x128xf32, #tpu.memory_space<vmem>>
    %dma_start3A_32 = arith.constant 0 : i32
    %dma_start3A_33 = tpu.memref_slice %arg5[%dma_start3A_26, %dma_start3A_32] : memref<200x128xi32, #tpu.memory_space<vmem>> -> memref<1x128xi32, #tpu.memory_space<vmem>>
    %dma_start3A_34 = tpu.memref_squeeze %dma_start3A_33 : memref<1x128xi32, #tpu.memory_space<vmem>> -> memref<128xi32, #tpu.memory_space<vmem>>
    %dma_start3A_35 = arith.constant 0 : i32
    %dma_start3A_36 = arith.constant 0 : i32
    %dma_start3A_37 = tpu.memref_slice %arg3[%dma_start3A_35, %dma_start3A_36] : memref<100001x128xf32, #tpu.memory_space<hbm>> -> memref<100001x128xf32, #tpu.memory_space<hbm>>
    tpu.enqueue_indirect_dma source(%dma_start3A_37 : memref<100001x128xf32, #tpu.memory_space<hbm>>) target(%dma_start3A_31 : memref<128x128xf32, #tpu.memory_space<vmem>>) offsets(%dma_start3A_34 : memref<128xi32, #tpu.memory_space<vmem>>) semaphore(%arg9 : memref<!tpu.dma_semaphore, #tpu.memory_space<semaphore_mem>>)
    %dma_start3A_38 = arith.constant 3 : i32
    %dma_start3A_39 = arith.constant 3 : i32
    %dma_start3A_40 = arith.constant 0 : i32
    %dma_start3A_41 = arith.constant 0 : i32
    %dma_start3A_42 = tpu.memref_slice %arg6[%dma_start3A_39, %dma_start3A_40, %dma_start3A_41] : memref<5x128x128xf32, #tpu.memory_space<vmem>> -> memref<1x128x128xf32, #tpu.memory_space<vmem>>
    %dma_start3A_43 = tpu.memref_squeeze %dma_start3A_42 : memref<1x128x128xf32, #tpu.memory_space<vmem>> -> memref<128x128xf32, #tpu.memory_space<vmem>>
    %dma_start3A_44 = arith.constant 0 : i32
    %dma_start3A_45 = tpu.memref_slice %arg5[%dma_start3A_38, %dma_start3A_44] : memref<200x128xi32, #tpu.memory_space<vmem>> -> memref<1x128xi32, #tpu.memory_space<vmem>>
    %dma_start3A_46 = tpu.memref_squeeze %dma_start3A_45 : memref<1x128xi32, #tpu.memory_space<vmem>> -> memref<128xi32, #tpu.memory_space<vmem>>
    %dma_start3A_47 = arith.constant 0 : i32
    %dma_start3A_48 = arith.constant 0 : i32
    %dma_start3A_49 = tpu.memref_slice %arg3[%dma_start3A_47, %dma_start3A_48] : memref<100001x128xf32, #tpu.memory_space<hbm>> -> memref<100001x128xf32, #tpu.memory_space<hbm>>
    tpu.enqueue_indirect_dma source(%dma_start3A_49 : memref<100001x128xf32, #tpu.memory_space<hbm>>) target(%dma_start3A_43 : memref<128x128xf32, #tpu.memory_space<vmem>>) offsets(%dma_start3A_46 : memref<128xi32, #tpu.memory_space<vmem>>) semaphore(%arg10 : memref<!tpu.dma_semaphore, #tpu.memory_space<semaphore_mem>>)
    %scan3A = arith.constant 0 : i32
    %scan3A_50 = arith.constant 0 : i32
    %scan3A_51 = arith.constant 40 : i32
    %scan3A_52 = arith.addi %scan3A_50, %scan3A_51 : i32
    %scan3A_53 = arith.constant 1 : i32
    scf.for %scan3A_129 = %scan3A_50 to %scan3A_52 step %scan3A_53  : i32 {
      %mul3A_130 = arith.constant 5 : i32
      %mul3A_131 = arith.muli %scan3A_129, %mul3A_130 : i32
      %add3A_132 = arith.constant 0 : i32
      %add3A_133 = arith.addi %mul3A_131, %add3A_132 : i32
      %add3A_134 = arith.constant 5 : i32
      %add3A_135 = arith.addi %add3A_133, %add3A_134 : i32
      %sub3A = arith.constant 1 : i32
      %sub3A_136 = arith.subi %add3A_135, %sub3A : i32
      %lt3A = arith.constant 200 : i32
      %lt3A_137 = arith.cmpi slt, %sub3A_136, %lt3A : i32
      %ge3A = arith.constant 1 : i32
      %ge3A_138 = arith.cmpi sge, %scan3A_129, %ge3A : i32
      %and3A = arith.andi %ge3A_138, %lt3A_137 : i1
      %convert_element_type3A = arith.extui %and3A : i1 to i32
      %cond3A = arith.constant 0 : i32
      %cond3A_139 = arith.cmpi ne, %convert_element_type3A, %cond3A : i32
      scf.if %cond3A_139 {
        %mul3A_342 = arith.constant 128 : i32
        %mul3A_343 = arith.muli %mul3A_2, %mul3A_342 : i32
        %dma_wait3A_344 = arith.constant 4 : i32
        %dma_wait3A_345 = arith.constant 0 : i32
        %dma_wait3A_346 = arith.constant 0 : i32
        %dma_wait3A_347 = tpu.memref_slice %arg6[%dma_wait3A_344, %dma_wait3A_345, %dma_wait3A_346] : memref<5x128x128xf32, #tpu.memory_space<vmem>> -> memref<1x128x128xf32, #tpu.memory_space<vmem>>
        %dma_wait3A_348 = tpu.memref_squeeze %dma_wait3A_347 : memref<1x128x128xf32, #tpu.memory_space<vmem>> -> memref<128x128xf32, #tpu.memory_space<vmem>>
        %dma_wait3A_349 = arith.constant 0 : i32
        %dma_wait3A_350 = tpu.memref_slice %arg4[%mul3A_343, %dma_wait3A_349] : memref<819200x128xf32, #tpu.memory_space<hbm>> -> memref<128x128xf32, #tpu.memory_space<hbm>>
        %dma_wait3A_351 = arith.constant 0 : i32
        %dma_wait3A_352 = tpu.memref_slice %arg4[%mul3A_343, %dma_wait3A_351] : memref<819200x128xf32, #tpu.memory_space<hbm>> -> memref<128x128xf32, #tpu.memory_space<hbm>>
        %dma_wait3A_353 = arith.constant 0 : i32
        %dma_wait3A_354 = arith.constant 0 : i32
        %dma_wait3A_355 = tpu.memref_slice %arg6[%dma_wait3A_344, %dma_wait3A_353, %dma_wait3A_354] : memref<5x128x128xf32, #tpu.memory_space<vmem>> -> memref<1x128x128xf32, #tpu.memory_space<vmem>>
        %dma_wait3A_356 = tpu.memref_squeeze %dma_wait3A_355 : memref<1x128x128xf32, #tpu.memory_space<vmem>> -> memref<128x128xf32, #tpu.memory_space<vmem>>
        tpu.wait_dma2 semaphore(%arg16 : memref<!tpu.dma_semaphore, #tpu.memory_space<semaphore_mem>>) src(%dma_wait3A_356 : memref<128x128xf32, #tpu.memory_space<vmem>>) dst(%dma_wait3A_352 : memref<128x128xf32, #tpu.memory_space<hbm>>)
      } else {
      }
      %convert_element_type3A_140 = arith.extui %lt3A_137 : i1 to i32
      %cond3A_141 = arith.constant 0 : i32
      %cond3A_142 = arith.cmpi ne, %convert_element_type3A_140, %cond3A_141 : i32
      scf.if %cond3A_142 {
        %dma_start3A_342 = arith.constant 4 : i32
        %dma_start3A_343 = arith.constant 0 : i32
        %dma_start3A_344 = arith.constant 0 : i32
        %dma_start3A_345 = tpu.memref_slice %arg6[%dma_start3A_342, %dma_start3A_343, %dma_start3A_344] : memref<5x128x128xf32, #tpu.memory_space<vmem>> -> memref<1x128x128xf32, #tpu.memory_space<vmem>>
        %dma_start3A_346 = tpu.memref_squeeze %dma_start3A_345 : memref<1x128x128xf32, #tpu.memory_space<vmem>> -> memref<128x128xf32, #tpu.memory_space<vmem>>
        %dma_start3A_347 = arith.constant 0 : i32
        %dma_start3A_348 = tpu.memref_slice %arg5[%sub3A_136, %dma_start3A_347] : memref<200x128xi32, #tpu.memory_space<vmem>> -> memref<1x128xi32, #tpu.memory_space<vmem>>
        %dma_start3A_349 = tpu.memref_squeeze %dma_start3A_348 : memref<1x128xi32, #tpu.memory_space<vmem>> -> memref<128xi32, #tpu.memory_space<vmem>>
        %dma_start3A_350 = arith.constant 0 : i32
        %dma_start3A_351 = arith.constant 0 : i32
        %dma_start3A_352 = tpu.memref_slice %arg3[%dma_start3A_350, %dma_start3A_351] : memref<100001x128xf32, #tpu.memory_space<hbm>> -> memref<100001x128xf32, #tpu.memory_space<hbm>>
        tpu.enqueue_indirect_dma source(%dma_start3A_352 : memref<100001x128xf32, #tpu.memory_space<hbm>>) target(%dma_start3A_346 : memref<128x128xf32, #tpu.memory_space<vmem>>) offsets(%dma_start3A_349 : memref<128xi32, #tpu.memory_space<vmem>>) semaphore(%arg11 : memref<!tpu.dma_semaphore, #tpu.memory_space<semaphore_mem>>)
      } else {
      }
      %dma_wait3A_143 = arith.constant 0 : i32
      %dma_wait3A_144 = arith.constant 0 : i32
      %dma_wait3A_145 = arith.constant 0 : i32
      %dma_wait3A_146 = tpu.memref_slice %arg6[%dma_wait3A_143, %dma_wait3A_144, %dma_wait3A_145] : memref<5x128x128xf32, #tpu.memory_space<vmem>> -> memref<1x128x128xf32, #tpu.memory_space<vmem>>
      %dma_wait3A_147 = tpu.memref_squeeze %dma_wait3A_146 : memref<1x128x128xf32, #tpu.memory_space<vmem>> -> memref<128x128xf32, #tpu.memory_space<vmem>>
      %dma_wait3A_148 = arith.constant 0 : i32
      %dma_wait3A_149 = tpu.memref_slice %arg5[%add3A_133, %dma_wait3A_148] : memref<200x128xi32, #tpu.memory_space<vmem>> -> memref<1x128xi32, #tpu.memory_space<vmem>>
      %dma_wait3A_150 = tpu.memref_squeeze %dma_wait3A_149 : memref<1x128xi32, #tpu.memory_space<vmem>> -> memref<128xi32, #tpu.memory_space<vmem>>
      %dma_wait3A_151 = arith.constant 0 : i32
      %dma_wait3A_152 = arith.constant 0 : i32
      %dma_wait3A_153 = tpu.memref_slice %arg3[%dma_wait3A_151, %dma_wait3A_152] : memref<100001x128xf32, #tpu.memory_space<hbm>> -> memref<100001x128xf32, #tpu.memory_space<hbm>>
      tpu.wait_indirect_dma semaphore(%arg7 : memref<!tpu.dma_semaphore, #tpu.memory_space<semaphore_mem>>) src(%dma_wait3A_153 : memref<100001x128xf32, #tpu.memory_space<hbm>>) dst(%dma_wait3A_147 : memref<128x128xf32, #tpu.memory_space<vmem>>)
      %add3A_154 = arith.addi %mul3A_2, %add3A_133 : i32
      %mul3A_155 = arith.constant 128 : i32
      %mul3A_156 = arith.muli %add3A_154, %mul3A_155 : i32
      %dma_start3A_157 = arith.constant 0 : i32
      %dma_start3A_158 = arith.constant 0 : i32
      %dma_start3A_159 = arith.constant 0 : i32
      %dma_start3A_160 = tpu.memref_slice %arg6[%dma_start3A_157, %dma_start3A_158, %dma_start3A_159] : memref<5x128x128xf32, #tpu.memory_space<vmem>> -> memref<1x128x128xf32, #tpu.memory_space<vmem>>
      %dma_start3A_161 = tpu.memref_squeeze %dma_start3A_160 : memref<1x128x128xf32, #tpu.memory_space<vmem>> -> memref<128x128xf32, #tpu.memory_space<vmem>>
      %dma_start3A_162 = arith.constant 0 : i32
      %dma_start3A_163 = tpu.memref_slice %arg4[%mul3A_156, %dma_start3A_162] : memref<819200x128xf32, #tpu.memory_space<hbm>> -> memref<128x128xf32, #tpu.memory_space<hbm>>
      %dma_start3A_164 = arith.constant 0 : i32
      %dma_start3A_165 = tpu.memref_slice %arg4[%mul3A_156, %dma_start3A_164] : memref<819200x128xf32, #tpu.memory_space<hbm>> -> memref<128x128xf32, #tpu.memory_space<hbm>>
      %dma_start3A_166 = arith.constant 0 : i32
      %dma_start3A_167 = arith.constant 0 : i32
      %dma_start3A_168 = tpu.memref_slice %arg6[%dma_start3A_157, %dma_start3A_166, %dma_start3A_167] : memref<5x128x128xf32, #tpu.memory_space<vmem>> -> memref<1x128x128xf32, #tpu.memory_space<vmem>>
      %dma_start3A_169 = tpu.memref_squeeze %dma_start3A_168 : memref<1x128x128xf32, #tpu.memory_space<vmem>> -> memref<128x128xf32, #tpu.memory_space<vmem>>
      tpu.enqueue_dma source(%dma_start3A_169 : memref<128x128xf32, #tpu.memory_space<vmem>>) target(%dma_start3A_165 : memref<128x128xf32, #tpu.memory_space<hbm>>) target_semaphore(%arg12 : memref<!tpu.dma_semaphore, #tpu.memory_space<semaphore_mem>>)
      %mul3A_170 = arith.constant 5 : i32
      %mul3A_171 = arith.muli %scan3A_129, %mul3A_170 : i32
      %add3A_172 = arith.constant 1 : i32
      %add3A_173 = arith.addi %mul3A_171, %add3A_172 : i32
      %add3A_174 = arith.constant 5 : i32
      %add3A_175 = arith.addi %add3A_173, %add3A_174 : i32
      %sub3A_176 = arith.constant 1 : i32
      %sub3A_177 = arith.subi %add3A_175, %sub3A_176 : i32
      %lt3A_178 = arith.constant 200 : i32
      %lt3A_179 = arith.cmpi slt, %sub3A_177, %lt3A_178 : i32
      %convert_element_type3A_180 = arith.extui %lt3A_179 : i1 to i32
      %cond3A_181 = arith.constant 0 : i32
      %cond3A_182 = arith.cmpi ne, %convert_element_type3A_180, %cond3A_181 : i32
      scf.if %cond3A_182 {
        %mul3A_342 = arith.constant 128 : i32
        %mul3A_343 = arith.muli %mul3A_2, %mul3A_342 : i32
        %dma_wait3A_344 = arith.constant 0 : i32
        %dma_wait3A_345 = arith.constant 0 : i32
        %dma_wait3A_346 = arith.constant 0 : i32
        %dma_wait3A_347 = tpu.memref_slice %arg6[%dma_wait3A_344, %dma_wait3A_345, %dma_wait3A_346] : memref<5x128x128xf32, #tpu.memory_space<vmem>> -> memref<1x128x128xf32, #tpu.memory_space<vmem>>
        %dma_wait3A_348 = tpu.memref_squeeze %dma_wait3A_347 : memref<1x128x128xf32, #tpu.memory_space<vmem>> -> memref<128x128xf32, #tpu.memory_space<vmem>>
        %dma_wait3A_349 = arith.constant 0 : i32
        %dma_wait3A_350 = tpu.memref_slice %arg4[%mul3A_343, %dma_wait3A_349] : memref<819200x128xf32, #tpu.memory_space<hbm>> -> memref<128x128xf32, #tpu.memory_space<hbm>>
        %dma_wait3A_351 = arith.constant 0 : i32
        %dma_wait3A_352 = tpu.memref_slice %arg4[%mul3A_343, %dma_wait3A_351] : memref<819200x128xf32, #tpu.memory_space<hbm>> -> memref<128x128xf32, #tpu.memory_space<hbm>>
        %dma_wait3A_353 = arith.constant 0 : i32
        %dma_wait3A_354 = arith.constant 0 : i32
        %dma_wait3A_355 = tpu.memref_slice %arg6[%dma_wait3A_344, %dma_wait3A_353, %dma_wait3A_354] : memref<5x128x128xf32, #tpu.memory_space<vmem>> -> memref<1x128x128xf32, #tpu.memory_space<vmem>>
        %dma_wait3A_356 = tpu.memref_squeeze %dma_wait3A_355 : memref<1x128x128xf32, #tpu.memory_space<vmem>> -> memref<128x128xf32, #tpu.memory_space<vmem>>
        tpu.wait_dma2 semaphore(%arg12 : memref<!tpu.dma_semaphore, #tpu.memory_space<semaphore_mem>>) src(%dma_wait3A_356 : memref<128x128xf32, #tpu.memory_space<vmem>>) dst(%dma_wait3A_352 : memref<128x128xf32, #tpu.memory_space<hbm>>)
      } else {
      }
      %convert_element_type3A_183 = arith.extui %lt3A_179 : i1 to i32
      %cond3A_184 = arith.constant 0 : i32
      %cond3A_185 = arith.cmpi ne, %convert_element_type3A_183, %cond3A_184 : i32
      scf.if %cond3A_185 {
        %dma_start3A_342 = arith.constant 0 : i32
        %dma_start3A_343 = arith.constant 0 : i32
        %dma_start3A_344 = arith.constant 0 : i32
        %dma_start3A_345 = tpu.memref_slice %arg6[%dma_start3A_342, %dma_start3A_343, %dma_start3A_344] : memref<5x128x128xf32, #tpu.memory_space<vmem>> -> memref<1x128x128xf32, #tpu.memory_space<vmem>>
        %dma_start3A_346 = tpu.memref_squeeze %dma_start3A_345 : memref<1x128x128xf32, #tpu.memory_space<vmem>> -> memref<128x128xf32, #tpu.memory_space<vmem>>
        %dma_start3A_347 = arith.constant 0 : i32
        %dma_start3A_348 = tpu.memref_slice %arg5[%sub3A_177, %dma_start3A_347] : memref<200x128xi32, #tpu.memory_space<vmem>> -> memref<1x128xi32, #tpu.memory_space<vmem>>
        %dma_start3A_349 = tpu.memref_squeeze %dma_start3A_348 : memref<1x128xi32, #tpu.memory_space<vmem>> -> memref<128xi32, #tpu.memory_space<vmem>>
        %dma_start3A_350 = arith.constant 0 : i32
        %dma_start3A_351 = arith.constant 0 : i32
        %dma_start3A_352 = tpu.memref_slice %arg3[%dma_start3A_350, %dma_start3A_351] : memref<100001x128xf32, #tpu.memory_space<hbm>> -> memref<100001x128xf32, #tpu.memory_space<hbm>>
        tpu.enqueue_indirect_dma source(%dma_start3A_352 : memref<100001x128xf32, #tpu.memory_space<hbm>>) target(%dma_start3A_346 : memref<128x128xf32, #tpu.memory_space<vmem>>) offsets(%dma_start3A_349 : memref<128xi32, #tpu.memory_space<vmem>>) semaphore(%arg7 : memref<!tpu.dma_semaphore, #tpu.memory_space<semaphore_mem>>)
      } else {
      }
      %dma_wait3A_186 = arith.constant 1 : i32
      %dma_wait3A_187 = arith.constant 0 : i32
      %dma_wait3A_188 = arith.constant 0 : i32
      %dma_wait3A_189 = tpu.memref_slice %arg6[%dma_wait3A_186, %dma_wait3A_187, %dma_wait3A_188] : memref<5x128x128xf32, #tpu.memory_space<vmem>> -> memref<1x128x128xf32, #tpu.memory_space<vmem>>
      %dma_wait3A_190 = tpu.memref_squeeze %dma_wait3A_189 : memref<1x128x128xf32, #tpu.memory_space<vmem>> -> memref<128x128xf32, #tpu.memory_space<vmem>>
      %dma_wait3A_191 = arith.constant 0 : i32
      %dma_wait3A_192 = tpu.memref_slice %arg5[%add3A_173, %dma_wait3A_191] : memref<200x128xi32, #tpu.memory_space<vmem>> -> memref<1x128xi32, #tpu.memory_space<vmem>>
      %dma_wait3A_193 = tpu.memref_squeeze %dma_wait3A_192 : memref<1x128xi32, #tpu.memory_space<vmem>> -> memref<128xi32, #tpu.memory_space<vmem>>
      %dma_wait3A_194 = arith.constant 0 : i32
      %dma_wait3A_195 = arith.constant 0 : i32
      %dma_wait3A_196 = tpu.memref_slice %arg3[%dma_wait3A_194, %dma_wait3A_195] : memref<100001x128xf32, #tpu.memory_space<hbm>> -> memref<100001x128xf32, #tpu.memory_space<hbm>>
      tpu.wait_indirect_dma semaphore(%arg8 : memref<!tpu.dma_semaphore, #tpu.memory_space<semaphore_mem>>) src(%dma_wait3A_196 : memref<100001x128xf32, #tpu.memory_space<hbm>>) dst(%dma_wait3A_190 : memref<128x128xf32, #tpu.memory_space<vmem>>)
      %add3A_197 = arith.addi %mul3A_2, %add3A_173 : i32
      %mul3A_198 = arith.constant 128 : i32
      %mul3A_199 = arith.muli %add3A_197, %mul3A_198 : i32
      %dma_start3A_200 = arith.constant 1 : i32
      %dma_start3A_201 = arith.constant 0 : i32
      %dma_start3A_202 = arith.constant 0 : i32
      %dma_start3A_203 = tpu.memref_slice %arg6[%dma_start3A_200, %dma_start3A_201, %dma_start3A_202] : memref<5x128x128xf32, #tpu.memory_space<vmem>> -> memref<1x128x128xf32, #tpu.memory_space<vmem>>
      %dma_start3A_204 = tpu.memref_squeeze %dma_start3A_203 : memref<1x128x128xf32, #tpu.memory_space<vmem>> -> memref<128x128xf32, #tpu.memory_space<vmem>>
      %dma_start3A_205 = arith.constant 0 : i32
      %dma_start3A_206 = tpu.memref_slice %arg4[%mul3A_199, %dma_start3A_205] : memref<819200x128xf32, #tpu.memory_space<hbm>> -> memref<128x128xf32, #tpu.memory_space<hbm>>
      %dma_start3A_207 = arith.constant 0 : i32
      %dma_start3A_208 = tpu.memref_slice %arg4[%mul3A_199, %dma_start3A_207] : memref<819200x128xf32, #tpu.memory_space<hbm>> -> memref<128x128xf32, #tpu.memory_space<hbm>>
      %dma_start3A_209 = arith.constant 0 : i32
      %dma_start3A_210 = arith.constant 0 : i32
      %dma_start3A_211 = tpu.memref_slice %arg6[%dma_start3A_200, %dma_start3A_209, %dma_start3A_210] : memref<5x128x128xf32, #tpu.memory_space<vmem>> -> memref<1x128x128xf32, #tpu.memory_space<vmem>>
      %dma_start3A_212 = tpu.memref_squeeze %dma_start3A_211 : memref<1x128x128xf32, #tpu.memory_space<vmem>> -> memref<128x128xf32, #tpu.memory_space<vmem>>
      tpu.enqueue_dma source(%dma_start3A_212 : memref<128x128xf32, #tpu.memory_space<vmem>>) target(%dma_start3A_208 : memref<128x128xf32, #tpu.memory_space<hbm>>) target_semaphore(%arg13 : memref<!tpu.dma_semaphore, #tpu.memory_space<semaphore_mem>>)
      %mul3A_213 = arith.constant 5 : i32
      %mul3A_214 = arith.muli %scan3A_129, %mul3A_213 : i32
      %add3A_215 = arith.constant 2 : i32
      %add3A_216 = arith.addi %mul3A_214, %add3A_215 : i32
      %add3A_217 = arith.constant 5 : i32
      %add3A_218 = arith.addi %add3A_216, %add3A_217 : i32
      %sub3A_219 = arith.constant 1 : i32
      %sub3A_220 = arith.subi %add3A_218, %sub3A_219 : i32
      %lt3A_221 = arith.constant 200 : i32
      %lt3A_222 = arith.cmpi slt, %sub3A_220, %lt3A_221 : i32
      %convert_element_type3A_223 = arith.extui %lt3A_222 : i1 to i32
      %cond3A_224 = arith.constant 0 : i32
      %cond3A_225 = arith.cmpi ne, %convert_element_type3A_223, %cond3A_224 : i32
      scf.if %cond3A_225 {
        %mul3A_342 = arith.constant 128 : i32
        %mul3A_343 = arith.muli %mul3A_2, %mul3A_342 : i32
        %dma_wait3A_344 = arith.constant 1 : i32
        %dma_wait3A_345 = arith.constant 0 : i32
        %dma_wait3A_346 = arith.constant 0 : i32
        %dma_wait3A_347 = tpu.memref_slice %arg6[%dma_wait3A_344, %dma_wait3A_345, %dma_wait3A_346] : memref<5x128x128xf32, #tpu.memory_space<vmem>> -> memref<1x128x128xf32, #tpu.memory_space<vmem>>
        %dma_wait3A_348 = tpu.memref_squeeze %dma_wait3A_347 : memref<1x128x128xf32, #tpu.memory_space<vmem>> -> memref<128x128xf32, #tpu.memory_space<vmem>>
        %dma_wait3A_349 = arith.constant 0 : i32
        %dma_wait3A_350 = tpu.memref_slice %arg4[%mul3A_343, %dma_wait3A_349] : memref<819200x128xf32, #tpu.memory_space<hbm>> -> memref<128x128xf32, #tpu.memory_space<hbm>>
        %dma_wait3A_351 = arith.constant 0 : i32
        %dma_wait3A_352 = tpu.memref_slice %arg4[%mul3A_343, %dma_wait3A_351] : memref<819200x128xf32, #tpu.memory_space<hbm>> -> memref<128x128xf32, #tpu.memory_space<hbm>>
        %dma_wait3A_353 = arith.constant 0 : i32
        %dma_wait3A_354 = arith.constant 0 : i32
        %dma_wait3A_355 = tpu.memref_slice %arg6[%dma_wait3A_344, %dma_wait3A_353, %dma_wait3A_354] : memref<5x128x128xf32, #tpu.memory_space<vmem>> -> memref<1x128x128xf32, #tpu.memory_space<vmem>>
        %dma_wait3A_356 = tpu.memref_squeeze %dma_wait3A_355 : memref<1x128x128xf32, #tpu.memory_space<vmem>> -> memref<128x128xf32, #tpu.memory_space<vmem>>
        tpu.wait_dma2 semaphore(%arg13 : memref<!tpu.dma_semaphore, #tpu.memory_space<semaphore_mem>>) src(%dma_wait3A_356 : memref<128x128xf32, #tpu.memory_space<vmem>>) dst(%dma_wait3A_352 : memref<128x128xf32, #tpu.memory_space<hbm>>)
      } else {
      }
      %convert_element_type3A_226 = arith.extui %lt3A_222 : i1 to i32
      %cond3A_227 = arith.constant 0 : i32
      %cond3A_228 = arith.cmpi ne, %convert_element_type3A_226, %cond3A_227 : i32
      scf.if %cond3A_228 {
        %dma_start3A_342 = arith.constant 1 : i32
        %dma_start3A_343 = arith.constant 0 : i32
        %dma_start3A_344 = arith.constant 0 : i32
        %dma_start3A_345 = tpu.memref_slice %arg6[%dma_start3A_342, %dma_start3A_343, %dma_start3A_344] : memref<5x128x128xf32, #tpu.memory_space<vmem>> -> memref<1x128x128xf32, #tpu.memory_space<vmem>>
        %dma_start3A_346 = tpu.memref_squeeze %dma_start3A_345 : memref<1x128x128xf32, #tpu.memory_space<vmem>> -> memref<128x128xf32, #tpu.memory_space<vmem>>
        %dma_start3A_347 = arith.constant 0 : i32
        %dma_start3A_348 = tpu.memref_slice %arg5[%sub3A_220, %dma_start3A_347] : memref<200x128xi32, #tpu.memory_space<vmem>> -> memref<1x128xi32, #tpu.memory_space<vmem>>
        %dma_start3A_349 = tpu.memref_squeeze %dma_start3A_348 : memref<1x128xi32, #tpu.memory_space<vmem>> -> memref<128xi32, #tpu.memory_space<vmem>>
        %dma_start3A_350 = arith.constant 0 : i32
        %dma_start3A_351 = arith.constant 0 : i32
        %dma_start3A_352 = tpu.memref_slice %arg3[%dma_start3A_350, %dma_start3A_351] : memref<100001x128xf32, #tpu.memory_space<hbm>> -> memref<100001x128xf32, #tpu.memory_space<hbm>>
        tpu.enqueue_indirect_dma source(%dma_start3A_352 : memref<100001x128xf32, #tpu.memory_space<hbm>>) target(%dma_start3A_346 : memref<128x128xf32, #tpu.memory_space<vmem>>) offsets(%dma_start3A_349 : memref<128xi32, #tpu.memory_space<vmem>>) semaphore(%arg8 : memref<!tpu.dma_semaphore, #tpu.memory_space<semaphore_mem>>)
      } else {
      }
      %dma_wait3A_229 = arith.constant 2 : i32
      %dma_wait3A_230 = arith.constant 0 : i32
      %dma_wait3A_231 = arith.constant 0 : i32
      %dma_wait3A_232 = tpu.memref_slice %arg6[%dma_wait3A_229, %dma_wait3A_230, %dma_wait3A_231] : memref<5x128x128xf32, #tpu.memory_space<vmem>> -> memref<1x128x128xf32, #tpu.memory_space<vmem>>
      %dma_wait3A_233 = tpu.memref_squeeze %dma_wait3A_232 : memref<1x128x128xf32, #tpu.memory_space<vmem>> -> memref<128x128xf32, #tpu.memory_space<vmem>>
      %dma_wait3A_234 = arith.constant 0 : i32
      %dma_wait3A_235 = tpu.memref_slice %arg5[%add3A_216, %dma_wait3A_234] : memref<200x128xi32, #tpu.memory_space<vmem>> -> memref<1x128xi32, #tpu.memory_space<vmem>>
      %dma_wait3A_236 = tpu.memref_squeeze %dma_wait3A_235 : memref<1x128xi32, #tpu.memory_space<vmem>> -> memref<128xi32, #tpu.memory_space<vmem>>
      %dma_wait3A_237 = arith.constant 0 : i32
      %dma_wait3A_238 = arith.constant 0 : i32
      %dma_wait3A_239 = tpu.memref_slice %arg3[%dma_wait3A_237, %dma_wait3A_238] : memref<100001x128xf32, #tpu.memory_space<hbm>> -> memref<100001x128xf32, #tpu.memory_space<hbm>>
      tpu.wait_indirect_dma semaphore(%arg9 : memref<!tpu.dma_semaphore, #tpu.memory_space<semaphore_mem>>) src(%dma_wait3A_239 : memref<100001x128xf32, #tpu.memory_space<hbm>>) dst(%dma_wait3A_233 : memref<128x128xf32, #tpu.memory_space<vmem>>)
      %add3A_240 = arith.addi %mul3A_2, %add3A_216 : i32
      %mul3A_241 = arith.constant 128 : i32
      %mul3A_242 = arith.muli %add3A_240, %mul3A_241 : i32
      %dma_start3A_243 = arith.constant 2 : i32
      %dma_start3A_244 = arith.constant 0 : i32
      %dma_start3A_245 = arith.constant 0 : i32
      %dma_start3A_246 = tpu.memref_slice %arg6[%dma_start3A_243, %dma_start3A_244, %dma_start3A_245] : memref<5x128x128xf32, #tpu.memory_space<vmem>> -> memref<1x128x128xf32, #tpu.memory_space<vmem>>
      %dma_start3A_247 = tpu.memref_squeeze %dma_start3A_246 : memref<1x128x128xf32, #tpu.memory_space<vmem>> -> memref<128x128xf32, #tpu.memory_space<vmem>>
      %dma_start3A_248 = arith.constant 0 : i32
      %dma_start3A_249 = tpu.memref_slice %arg4[%mul3A_242, %dma_start3A_248] : memref<819200x128xf32, #tpu.memory_space<hbm>> -> memref<128x128xf32, #tpu.memory_space<hbm>>
      %dma_start3A_250 = arith.constant 0 : i32
      %dma_start3A_251 = tpu.memref_slice %arg4[%mul3A_242, %dma_start3A_250] : memref<819200x128xf32, #tpu.memory_space<hbm>> -> memref<128x128xf32, #tpu.memory_space<hbm>>
      %dma_start3A_252 = arith.constant 0 : i32
      %dma_start3A_253 = arith.constant 0 : i32
      %dma_start3A_254 = tpu.memref_slice %arg6[%dma_start3A_243, %dma_start3A_252, %dma_start3A_253] : memref<5x128x128xf32, #tpu.memory_space<vmem>> -> memref<1x128x128xf32, #tpu.memory_space<vmem>>
      %dma_start3A_255 = tpu.memref_squeeze %dma_start3A_254 : memref<1x128x128xf32, #tpu.memory_space<vmem>> -> memref<128x128xf32, #tpu.memory_space<vmem>>
      tpu.enqueue_dma source(%dma_start3A_255 : memref<128x128xf32, #tpu.memory_space<vmem>>) target(%dma_start3A_251 : memref<128x128xf32, #tpu.memory_space<hbm>>) target_semaphore(%arg14 : memref<!tpu.dma_semaphore, #tpu.memory_space<semaphore_mem>>)
      %mul3A_256 = arith.constant 5 : i32
      %mul3A_257 = arith.muli %scan3A_129, %mul3A_256 : i32
      %add3A_258 = arith.constant 3 : i32
      %add3A_259 = arith.addi %mul3A_257, %add3A_258 : i32
      %add3A_260 = arith.constant 5 : i32
      %add3A_261 = arith.addi %add3A_259, %add3A_260 : i32
      %sub3A_262 = arith.constant 1 : i32
      %sub3A_263 = arith.subi %add3A_261, %sub3A_262 : i32
      %lt3A_264 = arith.constant 200 : i32
      %lt3A_265 = arith.cmpi slt, %sub3A_263, %lt3A_264 : i32
      %convert_element_type3A_266 = arith.extui %lt3A_265 : i1 to i32
      %cond3A_267 = arith.constant 0 : i32
      %cond3A_268 = arith.cmpi ne, %convert_element_type3A_266, %cond3A_267 : i32
      scf.if %cond3A_268 {
        %mul3A_342 = arith.constant 128 : i32
        %mul3A_343 = arith.muli %mul3A_2, %mul3A_342 : i32
        %dma_wait3A_344 = arith.constant 2 : i32
        %dma_wait3A_345 = arith.constant 0 : i32
        %dma_wait3A_346 = arith.constant 0 : i32
        %dma_wait3A_347 = tpu.memref_slice %arg6[%dma_wait3A_344, %dma_wait3A_345, %dma_wait3A_346] : memref<5x128x128xf32, #tpu.memory_space<vmem>> -> memref<1x128x128xf32, #tpu.memory_space<vmem>>
        %dma_wait3A_348 = tpu.memref_squeeze %dma_wait3A_347 : memref<1x128x128xf32, #tpu.memory_space<vmem>> -> memref<128x128xf32, #tpu.memory_space<vmem>>
        %dma_wait3A_349 = arith.constant 0 : i32
        %dma_wait3A_350 = tpu.memref_slice %arg4[%mul3A_343, %dma_wait3A_349] : memref<819200x128xf32, #tpu.memory_space<hbm>> -> memref<128x128xf32, #tpu.memory_space<hbm>>
        %dma_wait3A_351 = arith.constant 0 : i32
        %dma_wait3A_352 = tpu.memref_slice %arg4[%mul3A_343, %dma_wait3A_351] : memref<819200x128xf32, #tpu.memory_space<hbm>> -> memref<128x128xf32, #tpu.memory_space<hbm>>
        %dma_wait3A_353 = arith.constant 0 : i32
        %dma_wait3A_354 = arith.constant 0 : i32
        %dma_wait3A_355 = tpu.memref_slice %arg6[%dma_wait3A_344, %dma_wait3A_353, %dma_wait3A_354] : memref<5x128x128xf32, #tpu.memory_space<vmem>> -> memref<1x128x128xf32, #tpu.memory_space<vmem>>
        %dma_wait3A_356 = tpu.memref_squeeze %dma_wait3A_355 : memref<1x128x128xf32, #tpu.memory_space<vmem>> -> memref<128x128xf32, #tpu.memory_space<vmem>>
        tpu.wait_dma2 semaphore(%arg14 : memref<!tpu.dma_semaphore, #tpu.memory_space<semaphore_mem>>) src(%dma_wait3A_356 : memref<128x128xf32, #tpu.memory_space<vmem>>) dst(%dma_wait3A_352 : memref<128x128xf32, #tpu.memory_space<hbm>>)
      } else {
      }
      %convert_element_type3A_269 = arith.extui %lt3A_265 : i1 to i32
      %cond3A_270 = arith.constant 0 : i32
      %cond3A_271 = arith.cmpi ne, %convert_element_type3A_269, %cond3A_270 : i32
      scf.if %cond3A_271 {
        %dma_start3A_342 = arith.constant 2 : i32
        %dma_start3A_343 = arith.constant 0 : i32
        %dma_start3A_344 = arith.constant 0 : i32
        %dma_start3A_345 = tpu.memref_slice %arg6[%dma_start3A_342, %dma_start3A_343, %dma_start3A_344] : memref<5x128x128xf32, #tpu.memory_space<vmem>> -> memref<1x128x128xf32, #tpu.memory_space<vmem>>
        %dma_start3A_346 = tpu.memref_squeeze %dma_start3A_345 : memref<1x128x128xf32, #tpu.memory_space<vmem>> -> memref<128x128xf32, #tpu.memory_space<vmem>>
        %dma_start3A_347 = arith.constant 0 : i32
        %dma_start3A_348 = tpu.memref_slice %arg5[%sub3A_263, %dma_start3A_347] : memref<200x128xi32, #tpu.memory_space<vmem>> -> memref<1x128xi32, #tpu.memory_space<vmem>>
        %dma_start3A_349 = tpu.memref_squeeze %dma_start3A_348 : memref<1x128xi32, #tpu.memory_space<vmem>> -> memref<128xi32, #tpu.memory_space<vmem>>
        %dma_start3A_350 = arith.constant 0 : i32
        %dma_start3A_351 = arith.constant 0 : i32
        %dma_start3A_352 = tpu.memref_slice %arg3[%dma_start3A_350, %dma_start3A_351] : memref<100001x128xf32, #tpu.memory_space<hbm>> -> memref<100001x128xf32, #tpu.memory_space<hbm>>
        tpu.enqueue_indirect_dma source(%dma_start3A_352 : memref<100001x128xf32, #tpu.memory_space<hbm>>) target(%dma_start3A_346 : memref<128x128xf32, #tpu.memory_space<vmem>>) offsets(%dma_start3A_349 : memref<128xi32, #tpu.memory_space<vmem>>) semaphore(%arg9 : memref<!tpu.dma_semaphore, #tpu.memory_space<semaphore_mem>>)
      } else {
      }
      %dma_wait3A_272 = arith.constant 3 : i32
      %dma_wait3A_273 = arith.constant 0 : i32
      %dma_wait3A_274 = arith.constant 0 : i32
      %dma_wait3A_275 = tpu.memref_slice %arg6[%dma_wait3A_272, %dma_wait3A_273, %dma_wait3A_274] : memref<5x128x128xf32, #tpu.memory_space<vmem>> -> memref<1x128x128xf32, #tpu.memory_space<vmem>>
      %dma_wait3A_276 = tpu.memref_squeeze %dma_wait3A_275 : memref<1x128x128xf32, #tpu.memory_space<vmem>> -> memref<128x128xf32, #tpu.memory_space<vmem>>
      %dma_wait3A_277 = arith.constant 0 : i32
      %dma_wait3A_278 = tpu.memref_slice %arg5[%add3A_259, %dma_wait3A_277] : memref<200x128xi32, #tpu.memory_space<vmem>> -> memref<1x128xi32, #tpu.memory_space<vmem>>
      %dma_wait3A_279 = tpu.memref_squeeze %dma_wait3A_278 : memref<1x128xi32, #tpu.memory_space<vmem>> -> memref<128xi32, #tpu.memory_space<vmem>>
      %dma_wait3A_280 = arith.constant 0 : i32
      %dma_wait3A_281 = arith.constant 0 : i32
      %dma_wait3A_282 = tpu.memref_slice %arg3[%dma_wait3A_280, %dma_wait3A_281] : memref<100001x128xf32, #tpu.memory_space<hbm>> -> memref<100001x128xf32, #tpu.memory_space<hbm>>
      tpu.wait_indirect_dma semaphore(%arg10 : memref<!tpu.dma_semaphore, #tpu.memory_space<semaphore_mem>>) src(%dma_wait3A_282 : memref<100001x128xf32, #tpu.memory_space<hbm>>) dst(%dma_wait3A_276 : memref<128x128xf32, #tpu.memory_space<vmem>>)
      %add3A_283 = arith.addi %mul3A_2, %add3A_259 : i32
      %mul3A_284 = arith.constant 128 : i32
      %mul3A_285 = arith.muli %add3A_283, %mul3A_284 : i32
      %dma_start3A_286 = arith.constant 3 : i32
      %dma_start3A_287 = arith.constant 0 : i32
      %dma_start3A_288 = arith.constant 0 : i32
      %dma_start3A_289 = tpu.memref_slice %arg6[%dma_start3A_286, %dma_start3A_287, %dma_start3A_288] : memref<5x128x128xf32, #tpu.memory_space<vmem>> -> memref<1x128x128xf32, #tpu.memory_space<vmem>>
      %dma_start3A_290 = tpu.memref_squeeze %dma_start3A_289 : memref<1x128x128xf32, #tpu.memory_space<vmem>> -> memref<128x128xf32, #tpu.memory_space<vmem>>
      %dma_start3A_291 = arith.constant 0 : i32
      %dma_start3A_292 = tpu.memref_slice %arg4[%mul3A_285, %dma_start3A_291] : memref<819200x128xf32, #tpu.memory_space<hbm>> -> memref<128x128xf32, #tpu.memory_space<hbm>>
      %dma_start3A_293 = arith.constant 0 : i32
      %dma_start3A_294 = tpu.memref_slice %arg4[%mul3A_285, %dma_start3A_293] : memref<819200x128xf32, #tpu.memory_space<hbm>> -> memref<128x128xf32, #tpu.memory_space<hbm>>
      %dma_start3A_295 = arith.constant 0 : i32
      %dma_start3A_296 = arith.constant 0 : i32
      %dma_start3A_297 = tpu.memref_slice %arg6[%dma_start3A_286, %dma_start3A_295, %dma_start3A_296] : memref<5x128x128xf32, #tpu.memory_space<vmem>> -> memref<1x128x128xf32, #tpu.memory_space<vmem>>
      %dma_start3A_298 = tpu.memref_squeeze %dma_start3A_297 : memref<1x128x128xf32, #tpu.memory_space<vmem>> -> memref<128x128xf32, #tpu.memory_space<vmem>>
      tpu.enqueue_dma source(%dma_start3A_298 : memref<128x128xf32, #tpu.memory_space<vmem>>) target(%dma_start3A_294 : memref<128x128xf32, #tpu.memory_space<hbm>>) target_semaphore(%arg15 : memref<!tpu.dma_semaphore, #tpu.memory_space<semaphore_mem>>)
      %mul3A_299 = arith.constant 5 : i32
      %mul3A_300 = arith.muli %scan3A_129, %mul3A_299 : i32
      %add3A_301 = arith.constant 4 : i32
      %add3A_302 = arith.addi %mul3A_300, %add3A_301 : i32
      %add3A_303 = arith.constant 5 : i32
      %add3A_304 = arith.addi %add3A_302, %add3A_303 : i32
      %sub3A_305 = arith.constant 1 : i32
      %sub3A_306 = arith.subi %add3A_304, %sub3A_305 : i32
      %lt3A_307 = arith.constant 200 : i32
      %lt3A_308 = arith.cmpi slt, %sub3A_306, %lt3A_307 : i32
      %convert_element_type3A_309 = arith.extui %lt3A_308 : i1 to i32
      %cond3A_310 = arith.constant 0 : i32
      %cond3A_311 = arith.cmpi ne, %convert_element_type3A_309, %cond3A_310 : i32
      scf.if %cond3A_311 {
        %mul3A_342 = arith.constant 128 : i32
        %mul3A_343 = arith.muli %mul3A_2, %mul3A_342 : i32
        %dma_wait3A_344 = arith.constant 3 : i32
        %dma_wait3A_345 = arith.constant 0 : i32
        %dma_wait3A_346 = arith.constant 0 : i32
        %dma_wait3A_347 = tpu.memref_slice %arg6[%dma_wait3A_344, %dma_wait3A_345, %dma_wait3A_346] : memref<5x128x128xf32, #tpu.memory_space<vmem>> -> memref<1x128x128xf32, #tpu.memory_space<vmem>>
        %dma_wait3A_348 = tpu.memref_squeeze %dma_wait3A_347 : memref<1x128x128xf32, #tpu.memory_space<vmem>> -> memref<128x128xf32, #tpu.memory_space<vmem>>
        %dma_wait3A_349 = arith.constant 0 : i32
        %dma_wait3A_350 = tpu.memref_slice %arg4[%mul3A_343, %dma_wait3A_349] : memref<819200x128xf32, #tpu.memory_space<hbm>> -> memref<128x128xf32, #tpu.memory_space<hbm>>
        %dma_wait3A_351 = arith.constant 0 : i32
        %dma_wait3A_352 = tpu.memref_slice %arg4[%mul3A_343, %dma_wait3A_351] : memref<819200x128xf32, #tpu.memory_space<hbm>> -> memref<128x128xf32, #tpu.memory_space<hbm>>
        %dma_wait3A_353 = arith.constant 0 : i32
        %dma_wait3A_354 = arith.constant 0 : i32
        %dma_wait3A_355 = tpu.memref_slice %arg6[%dma_wait3A_344, %dma_wait3A_353, %dma_wait3A_354] : memref<5x128x128xf32, #tpu.memory_space<vmem>> -> memref<1x128x128xf32, #tpu.memory_space<vmem>>
        %dma_wait3A_356 = tpu.memref_squeeze %dma_wait3A_355 : memref<1x128x128xf32, #tpu.memory_space<vmem>> -> memref<128x128xf32, #tpu.memory_space<vmem>>
        tpu.wait_dma2 semaphore(%arg15 : memref<!tpu.dma_semaphore, #tpu.memory_space<semaphore_mem>>) src(%dma_wait3A_356 : memref<128x128xf32, #tpu.memory_space<vmem>>) dst(%dma_wait3A_352 : memref<128x128xf32, #tpu.memory_space<hbm>>)
      } else {
      }
      %convert_element_type3A_312 = arith.extui %lt3A_308 : i1 to i32
      %cond3A_313 = arith.constant 0 : i32
      %cond3A_314 = arith.cmpi ne, %convert_element_type3A_312, %cond3A_313 : i32
      scf.if %cond3A_314 {
        %dma_start3A_342 = arith.constant 3 : i32
        %dma_start3A_343 = arith.constant 0 : i32
        %dma_start3A_344 = arith.constant 0 : i32
        %dma_start3A_345 = tpu.memref_slice %arg6[%dma_start3A_342, %dma_start3A_343, %dma_start3A_344] : memref<5x128x128xf32, #tpu.memory_space<vmem>> -> memref<1x128x128xf32, #tpu.memory_space<vmem>>
        %dma_start3A_346 = tpu.memref_squeeze %dma_start3A_345 : memref<1x128x128xf32, #tpu.memory_space<vmem>> -> memref<128x128xf32, #tpu.memory_space<vmem>>
        %dma_start3A_347 = arith.constant 0 : i32
        %dma_start3A_348 = tpu.memref_slice %arg5[%sub3A_306, %dma_start3A_347] : memref<200x128xi32, #tpu.memory_space<vmem>> -> memref<1x128xi32, #tpu.memory_space<vmem>>
        %dma_start3A_349 = tpu.memref_squeeze %dma_start3A_348 : memref<1x128xi32, #tpu.memory_space<vmem>> -> memref<128xi32, #tpu.memory_space<vmem>>
        %dma_start3A_350 = arith.constant 0 : i32
        %dma_start3A_351 = arith.constant 0 : i32
        %dma_start3A_352 = tpu.memref_slice %arg3[%dma_start3A_350, %dma_start3A_351] : memref<100001x128xf32, #tpu.memory_space<hbm>> -> memref<100001x128xf32, #tpu.memory_space<hbm>>
        tpu.enqueue_indirect_dma source(%dma_start3A_352 : memref<100001x128xf32, #tpu.memory_space<hbm>>) target(%dma_start3A_346 : memref<128x128xf32, #tpu.memory_space<vmem>>) offsets(%dma_start3A_349 : memref<128xi32, #tpu.memory_space<vmem>>) semaphore(%arg10 : memref<!tpu.dma_semaphore, #tpu.memory_space<semaphore_mem>>)
      } else {
      }
      %dma_wait3A_315 = arith.constant 4 : i32
      %dma_wait3A_316 = arith.constant 0 : i32
      %dma_wait3A_317 = arith.constant 0 : i32
      %dma_wait3A_318 = tpu.memref_slice %arg6[%dma_wait3A_315, %dma_wait3A_316, %dma_wait3A_317] : memref<5x128x128xf32, #tpu.memory_space<vmem>> -> memref<1x128x128xf32, #tpu.memory_space<vmem>>
      %dma_wait3A_319 = tpu.memref_squeeze %dma_wait3A_318 : memref<1x128x128xf32, #tpu.memory_space<vmem>> -> memref<128x128xf32, #tpu.memory_space<vmem>>
      %dma_wait3A_320 = arith.constant 0 : i32
      %dma_wait3A_321 = tpu.memref_slice %arg5[%add3A_302, %dma_wait3A_320] : memref<200x128xi32, #tpu.memory_space<vmem>> -> memref<1x128xi32, #tpu.memory_space<vmem>>
      %dma_wait3A_322 = tpu.memref_squeeze %dma_wait3A_321 : memref<1x128xi32, #tpu.memory_space<vmem>> -> memref<128xi32, #tpu.memory_space<vmem>>
      %dma_wait3A_323 = arith.constant 0 : i32
      %dma_wait3A_324 = arith.constant 0 : i32
      %dma_wait3A_325 = tpu.memref_slice %arg3[%dma_wait3A_323, %dma_wait3A_324] : memref<100001x128xf32, #tpu.memory_space<hbm>> -> memref<100001x128xf32, #tpu.memory_space<hbm>>
      tpu.wait_indirect_dma semaphore(%arg11 : memref<!tpu.dma_semaphore, #tpu.memory_space<semaphore_mem>>) src(%dma_wait3A_325 : memref<100001x128xf32, #tpu.memory_space<hbm>>) dst(%dma_wait3A_319 : memref<128x128xf32, #tpu.memory_space<vmem>>)
      %add3A_326 = arith.addi %mul3A_2, %add3A_302 : i32
      %mul3A_327 = arith.constant 128 : i32
      %mul3A_328 = arith.muli %add3A_326, %mul3A_327 : i32
      %dma_start3A_329 = arith.constant 4 : i32
      %dma_start3A_330 = arith.constant 0 : i32
      %dma_start3A_331 = arith.constant 0 : i32
      %dma_start3A_332 = tpu.memref_slice %arg6[%dma_start3A_329, %dma_start3A_330, %dma_start3A_331] : memref<5x128x128xf32, #tpu.memory_space<vmem>> -> memref<1x128x128xf32, #tpu.memory_space<vmem>>
      %dma_start3A_333 = tpu.memref_squeeze %dma_start3A_332 : memref<1x128x128xf32, #tpu.memory_space<vmem>> -> memref<128x128xf32, #tpu.memory_space<vmem>>
      %dma_start3A_334 = arith.constant 0 : i32
      %dma_start3A_335 = tpu.memref_slice %arg4[%mul3A_328, %dma_start3A_334] : memref<819200x128xf32, #tpu.memory_space<hbm>> -> memref<128x128xf32, #tpu.memory_space<hbm>>
      %dma_start3A_336 = arith.constant 0 : i32
      %dma_start3A_337 = tpu.memref_slice %arg4[%mul3A_328, %dma_start3A_336] : memref<819200x128xf32, #tpu.memory_space<hbm>> -> memref<128x128xf32, #tpu.memory_space<hbm>>
      %dma_start3A_338 = arith.constant 0 : i32
      %dma_start3A_339 = arith.constant 0 : i32
      %dma_start3A_340 = tpu.memref_slice %arg6[%dma_start3A_329, %dma_start3A_338, %dma_start3A_339] : memref<5x128x128xf32, #tpu.memory_space<vmem>> -> memref<1x128x128xf32, #tpu.memory_space<vmem>>
      %dma_start3A_341 = tpu.memref_squeeze %dma_start3A_340 : memref<1x128x128xf32, #tpu.memory_space<vmem>> -> memref<128x128xf32, #tpu.memory_space<vmem>>
      tpu.enqueue_dma source(%dma_start3A_341 : memref<128x128xf32, #tpu.memory_space<vmem>>) target(%dma_start3A_337 : memref<128x128xf32, #tpu.memory_space<hbm>>) target_semaphore(%arg16 : memref<!tpu.dma_semaphore, #tpu.memory_space<semaphore_mem>>)
    }
    %scan3A_54 = arith.constant 40 : i32
    %mul3A_55 = arith.constant 128 : i32
    %mul3A_56 = arith.muli %mul3A_2, %mul3A_55 : i32
    %dma_wait3A = arith.constant 0 : i32
    %dma_wait3A_57 = arith.constant 0 : i32
    %dma_wait3A_58 = arith.constant 0 : i32
    %dma_wait3A_59 = tpu.memref_slice %arg6[%dma_wait3A, %dma_wait3A_57, %dma_wait3A_58] : memref<5x128x128xf32, #tpu.memory_space<vmem>> -> memref<1x128x128xf32, #tpu.memory_space<vmem>>
    %dma_wait3A_60 = tpu.memref_squeeze %dma_wait3A_59 : memref<1x128x128xf32, #tpu.memory_space<vmem>> -> memref<128x128xf32, #tpu.memory_space<vmem>>
    %dma_wait3A_61 = arith.constant 0 : i32
    %dma_wait3A_62 = tpu.memref_slice %arg4[%mul3A_56, %dma_wait3A_61] : memref<819200x128xf32, #tpu.memory_space<hbm>> -> memref<128x128xf32, #tpu.memory_space<hbm>>
    %dma_wait3A_63 = arith.constant 0 : i32
    %dma_wait3A_64 = tpu.memref_slice %arg4[%mul3A_56, %dma_wait3A_63] : memref<819200x128xf32, #tpu.memory_space<hbm>> -> memref<128x128xf32, #tpu.memory_space<hbm>>
    %dma_wait3A_65 = arith.constant 0 : i32
    %dma_wait3A_66 = arith.constant 0 : i32
    %dma_wait3A_67 = tpu.memref_slice %arg6[%dma_wait3A, %dma_wait3A_65, %dma_wait3A_66] : memref<5x128x128xf32, #tpu.memory_space<vmem>> -> memref<1x128x128xf32, #tpu.memory_space<vmem>>
    %dma_wait3A_68 = tpu.memref_squeeze %dma_wait3A_67 : memref<1x128x128xf32, #tpu.memory_space<vmem>> -> memref<128x128xf32, #tpu.memory_space<vmem>>
    tpu.wait_dma2 semaphore(%arg12 : memref<!tpu.dma_semaphore, #tpu.memory_space<semaphore_mem>>) src(%dma_wait3A_68 : memref<128x128xf32, #tpu.memory_space<vmem>>) dst(%dma_wait3A_64 : memref<128x128xf32, #tpu.memory_space<hbm>>)
    %mul3A_69 = arith.constant 128 : i32
    %mul3A_70 = arith.muli %mul3A_2, %mul3A_69 : i32
    %dma_wait3A_71 = arith.constant 1 : i32
    %dma_wait3A_72 = arith.constant 0 : i32
    %dma_wait3A_73 = arith.constant 0 : i32
    %dma_wait3A_74 = tpu.memref_slice %arg6[%dma_wait3A_71, %dma_wait3A_72, %dma_wait3A_73] : memref<5x128x128xf32, #tpu.memory_space<vmem>> -> memref<1x128x128xf32, #tpu.memory_space<vmem>>
    %dma_wait3A_75 = tpu.memref_squeeze %dma_wait3A_74 : memref<1x128x128xf32, #tpu.memory_space<vmem>> -> memref<128x128xf32, #tpu.memory_space<vmem>>
    %dma_wait3A_76 = arith.constant 0 : i32
    %dma_wait3A_77 = tpu.memref_slice %arg4[%mul3A_70, %dma_wait3A_76] : memref<819200x128xf32, #tpu.memory_space<hbm>> -> memref<128x128xf32, #tpu.memory_space<hbm>>
    %dma_wait3A_78 = arith.constant 0 : i32
    %dma_wait3A_79 = tpu.memref_slice %arg4[%mul3A_70, %dma_wait3A_78] : memref<819200x128xf32, #tpu.memory_space<hbm>> -> memref<128x128xf32, #tpu.memory_space<hbm>>
    %dma_wait3A_80 = arith.constant 0 : i32
    %dma_wait3A_81 = arith.constant 0 : i32
    %dma_wait3A_82 = tpu.memref_slice %arg6[%dma_wait3A_71, %dma_wait3A_80, %dma_wait3A_81] : memref<5x128x128xf32, #tpu.memory_space<vmem>> -> memref<1x128x128xf32, #tpu.memory_space<vmem>>
    %dma_wait3A_83 = tpu.memref_squeeze %dma_wait3A_82 : memref<1x128x128xf32, #tpu.memory_space<vmem>> -> memref<128x128xf32, #tpu.memory_space<vmem>>
    tpu.wait_dma2 semaphore(%arg13 : memref<!tpu.dma_semaphore, #tpu.memory_space<semaphore_mem>>) src(%dma_wait3A_83 : memref<128x128xf32, #tpu.memory_space<vmem>>) dst(%dma_wait3A_79 : memref<128x128xf32, #tpu.memory_space<hbm>>)
    %mul3A_84 = arith.constant 128 : i32
    %mul3A_85 = arith.muli %mul3A_2, %mul3A_84 : i32
    %dma_wait3A_86 = arith.constant 2 : i32
    %dma_wait3A_87 = arith.constant 0 : i32
    %dma_wait3A_88 = arith.constant 0 : i32
    %dma_wait3A_89 = tpu.memref_slice %arg6[%dma_wait3A_86, %dma_wait3A_87, %dma_wait3A_88] : memref<5x128x128xf32, #tpu.memory_space<vmem>> -> memref<1x128x128xf32, #tpu.memory_space<vmem>>
    %dma_wait3A_90 = tpu.memref_squeeze %dma_wait3A_89 : memref<1x128x128xf32, #tpu.memory_space<vmem>> -> memref<128x128xf32, #tpu.memory_space<vmem>>
    %dma_wait3A_91 = arith.constant 0 : i32
    %dma_wait3A_92 = tpu.memref_slice %arg4[%mul3A_85, %dma_wait3A_91] : memref<819200x128xf32, #tpu.memory_space<hbm>> -> memref<128x128xf32, #tpu.memory_space<hbm>>
    %dma_wait3A_93 = arith.constant 0 : i32
    %dma_wait3A_94 = tpu.memref_slice %arg4[%mul3A_85, %dma_wait3A_93] : memref<819200x128xf32, #tpu.memory_space<hbm>> -> memref<128x128xf32, #tpu.memory_space<hbm>>
    %dma_wait3A_95 = arith.constant 0 : i32
    %dma_wait3A_96 = arith.constant 0 : i32
    %dma_wait3A_97 = tpu.memref_slice %arg6[%dma_wait3A_86, %dma_wait3A_95, %dma_wait3A_96] : memref<5x128x128xf32, #tpu.memory_space<vmem>> -> memref<1x128x128xf32, #tpu.memory_space<vmem>>
    %dma_wait3A_98 = tpu.memref_squeeze %dma_wait3A_97 : memref<1x128x128xf32, #tpu.memory_space<vmem>> -> memref<128x128xf32, #tpu.memory_space<vmem>>
    tpu.wait_dma2 semaphore(%arg14 : memref<!tpu.dma_semaphore, #tpu.memory_space<semaphore_mem>>) src(%dma_wait3A_98 : memref<128x128xf32, #tpu.memory_space<vmem>>) dst(%dma_wait3A_94 : memref<128x128xf32, #tpu.memory_space<hbm>>)
    %mul3A_99 = arith.constant 128 : i32
    %mul3A_100 = arith.muli %mul3A_2, %mul3A_99 : i32
    %dma_wait3A_101 = arith.constant 3 : i32
    %dma_wait3A_102 = arith.constant 0 : i32
    %dma_wait3A_103 = arith.constant 0 : i32
    %dma_wait3A_104 = tpu.memref_slice %arg6[%dma_wait3A_101, %dma_wait3A_102, %dma_wait3A_103] : memref<5x128x128xf32, #tpu.memory_space<vmem>> -> memref<1x128x128xf32, #tpu.memory_space<vmem>>
    %dma_wait3A_105 = tpu.memref_squeeze %dma_wait3A_104 : memref<1x128x128xf32, #tpu.memory_space<vmem>> -> memref<128x128xf32, #tpu.memory_space<vmem>>
    %dma_wait3A_106 = arith.constant 0 : i32
    %dma_wait3A_107 = tpu.memref_slice %arg4[%mul3A_100, %dma_wait3A_106] : memref<819200x128xf32, #tpu.memory_space<hbm>> -> memref<128x128xf32, #tpu.memory_space<hbm>>
    %dma_wait3A_108 = arith.constant 0 : i32
    %dma_wait3A_109 = tpu.memref_slice %arg4[%mul3A_100, %dma_wait3A_108] : memref<819200x128xf32, #tpu.memory_space<hbm>> -> memref<128x128xf32, #tpu.memory_space<hbm>>
    %dma_wait3A_110 = arith.constant 0 : i32
    %dma_wait3A_111 = arith.constant 0 : i32
    %dma_wait3A_112 = tpu.memref_slice %arg6[%dma_wait3A_101, %dma_wait3A_110, %dma_wait3A_111] : memref<5x128x128xf32, #tpu.memory_space<vmem>> -> memref<1x128x128xf32, #tpu.memory_space<vmem>>
    %dma_wait3A_113 = tpu.memref_squeeze %dma_wait3A_112 : memref<1x128x128xf32, #tpu.memory_space<vmem>> -> memref<128x128xf32, #tpu.memory_space<vmem>>
    tpu.wait_dma2 semaphore(%arg15 : memref<!tpu.dma_semaphore, #tpu.memory_space<semaphore_mem>>) src(%dma_wait3A_113 : memref<128x128xf32, #tpu.memory_space<vmem>>) dst(%dma_wait3A_109 : memref<128x128xf32, #tpu.memory_space<hbm>>)
    %mul3A_114 = arith.constant 128 : i32
    %mul3A_115 = arith.muli %mul3A_2, %mul3A_114 : i32
    %dma_wait3A_116 = arith.constant 4 : i32
    %dma_wait3A_117 = arith.constant 0 : i32
    %dma_wait3A_118 = arith.constant 0 : i32
    %dma_wait3A_119 = tpu.memref_slice %arg6[%dma_wait3A_116, %dma_wait3A_117, %dma_wait3A_118] : memref<5x128x128xf32, #tpu.memory_space<vmem>> -> memref<1x128x128xf32, #tpu.memory_space<vmem>>
    %dma_wait3A_120 = tpu.memref_squeeze %dma_wait3A_119 : memref<1x128x128xf32, #tpu.memory_space<vmem>> -> memref<128x128xf32, #tpu.memory_space<vmem>>
    %dma_wait3A_121 = arith.constant 0 : i32
    %dma_wait3A_122 = tpu.memref_slice %arg4[%mul3A_115, %dma_wait3A_121] : memref<819200x128xf32, #tpu.memory_space<hbm>> -> memref<128x128xf32, #tpu.memory_space<hbm>>
    %dma_wait3A_123 = arith.constant 0 : i32
    %dma_wait3A_124 = tpu.memref_slice %arg4[%mul3A_115, %dma_wait3A_123] : memref<819200x128xf32, #tpu.memory_space<hbm>> -> memref<128x128xf32, #tpu.memory_space<hbm>>
    %dma_wait3A_125 = arith.constant 0 : i32
    %dma_wait3A_126 = arith.constant 0 : i32
    %dma_wait3A_127 = tpu.memref_slice %arg6[%dma_wait3A_116, %dma_wait3A_125, %dma_wait3A_126] : memref<5x128x128xf32, #tpu.memory_space<vmem>> -> memref<1x128x128xf32, #tpu.memory_space<vmem>>
    %dma_wait3A_128 = tpu.memref_squeeze %dma_wait3A_127 : memref<1x128x128xf32, #tpu.memory_space<vmem>> -> memref<128x128xf32, #tpu.memory_space<vmem>>
    tpu.wait_dma2 semaphore(%arg16 : memref<!tpu.dma_semaphore, #tpu.memory_space<semaphore_mem>>) src(%dma_wait3A_128 : memref<128x128xf32, #tpu.memory_space<vmem>>) dst(%dma_wait3A_124 : memref<128x128xf32, #tpu.memory_space<hbm>>)
    return
  }
}

</mosaic_0001>

<sc_bundles>
// kernel: kernel.3.cloned.1.call-start
scs
__scs_entry_jumppad:
0x0: {  	(pc) =	sbr.rel $0x88, $3  }
0x1: {  	(tag) =	ssettag $0x0;
	lr =	simm.s32 $0x1  }
0x2: {  	[smem:$0x3F9F] =	sst lr;
	_ =	strace $0xD0000000  }
0x3: {  	_ = 	snop  }
0x4: {  	_ = 	snop  }
0x5: {  	_ = 	snop  }
0x6: {  	_ = 	snop  }
0x7: {  	_ = 	snop  }
__scs_overlays_trampoline_lowered:
0x8: {  	[smem:$0x3FAE] =	sst s0  }
0x9: {  	[smem:$0x3FAF] =	sst s1  }
0xa: {  	[smem:$0x3FB0] =	sst s2  }
0xb: {  	[smem:$0x3FB1] =	sst s3  }
0xc: {  	[smem:$0x3FB2] =	sst s4  }
0xd: {  	[smem:$0x3FB3] =	sst s5  }
0xe: {  	[smem:$0x3FB4] =	sst s6  }
0xf: {  	[smem:$0x3FB5] =	sst s7  }
0x10: {  	[smem:$0x3FB6] =	sst s8  }
0x11: {  	[smem:$0x3FB7] =	sst s9;
	s0 =	simm.s32 @!p0 $0x0  }
0x12: {  	s1 =	sld [smem:$0x3F9D];
	s0 =	simm.s32 @p0 $0x1  }
0x13: {  	[smem:$0x3FB8] =	sst s0;
	s0 =	simm.s32 @!p1 $0x0  }
0x14: {  	s2 =	sld [smem:$0x3F9C];
	s0 =	simm.s32 @p1 $0x1  }
0x15: {  	[smem:$0x3FB9] =	sst s0;
	s0 =	simm.s32 @!p2 $0x0  }
0x16: {  	s3 =	sld [smem:$0x3FDB];
	s0 =	simm.s32 @p2 $0x1  }
0x17: {  	s4 =	simm.s32 $0x1BF5;
	[smem:$0x3FBB] =	sst s0  }
0x18: {  	s0 =	sld [smem:$0x3F9E];
	_ =	swait.ge [sflag:s4], $0x0  }
0x19: {  	s7 =	sld [smem:$0x3F9F]  }
0x1a: {  	s8 =	sadd.s32 $0xFFFFE003, lr  }
0x1b: {  	s9 =	sadd.s32 $0xFFFFFEF7, lr;
	s5 =	simm.s32 $0xFFFFFFFF;
	p2 =	slt.u32 s8, $0xFFFFF086  }
0x1c: {  	p1 =	slt.u32 s9, $0xF7A;
	s5 =	simm.s32 @!p2 $0x0  }
0x1d: {  	s5 =	simm.s32 @p1 $0x1;
	p0 =	seq.s32 s7, s2  }
0x1e: {  	s7 =	smul.u32 @!p0 $0xF7A, s2;
	p2 =	seq.s32 @!p0 s5, $0x0  }
0x1f: {  	s9 =	smul.u32 $0xF7A, s1;
	s8 =	simm.s32 @!p0 $0x1BF5;
	p2 =	por !p2, p0  }
0x20: {  	[sflag:s8] =	ssyncset.s32 @!p0 $0xFFFFF086;
	s6 =	sadd.s32 @!p0 s3, s7;
	s7 =	simm.s32 @!p0 $0x108  }
0x21: {  	s3 =	sadd.s32 s3, s9;
	s6 =	sadd.s32 @!p0 $0x88, s6;
	s7 =	simm.s32 @p2 $0x1082  }
0x22: {  	[simem:s7], [sflag:s8] =	dma.local @!p0 [hbm:s6], $0xF7A  }
0x23: {  	s9 =	sor.u32 $0xD0000000, s2;
	s6 =	simm.s32 $0x108;
	_ =	swait.ge @!p0 [sflag:s8], $0x0  }
0x24: {  	s3 =	sadd.s32 $0x88, s3;
	s6 =	simm.s32 @!p1 $0x1082;
	[sflag:s4] =	ssyncset.s32 $0xFFFFF086  }
0x25: {  	[simem:s6], [sflag:s4] =	dma.local [hbm:s3], $0xF7A  }
0x26: {  	[smem:$0x3F9F] =	sst s1;
	(tag) =	ssettag s2;
	_ =	strace s9  }
0x27: {  	s1 =	sld [smem:$0x3FAF]  }
0x28: {  	s2 =	sld [smem:$0x3FB0]  }
0x29: {  	s4 =	sld [smem:$0x3FB2]  }
0x2a: {  	p0 =	seq.s32 s5, $0x0;
	s5 =	sld [smem:$0x3FB3]  }
0x2b: {  	s6 =	sld [smem:$0x3FB4]  }
0x2c: {  	s7 =	sld [smem:$0x3FB5]  }
0x2d: {  	s3 =	simm.s32 $0x108;
	s8 =	sld [smem:$0x3FB6]  }
0x2e: {  	s3 =	simm.s32 @!p0 $0x1082;
	s9 =	sld [smem:$0x3FB7]  }
0x2f: {  	lr =	sadd.s32 s0, s3;
	s0 =	sld [smem:$0x3FAE]  }
0x30: {  	s3 =	sld [smem:$0x3FB1]  }
0x31: {  	[smem:$0x3FBA] =	sst s10  }
0x32: {  	s10 =	sld [smem:$0x3FB8];
	_ =	sdelay $0x3  }
0x33: {  	p0 =	seq.s32 s10, $0x1;
	s10 =	sld [smem:$0x3FBA];
	_ =	sdelay $0x3  }
0x34: {  	[smem:$0x3FBA] =	sst s10  }
0x35: {  	s10 =	sld [smem:$0x3FB9];
	_ =	sdelay $0x3  }
0x36: {  	p1 =	seq.s32 s10, $0x1;
	s10 =	sld [smem:$0x3FBA];
	_ =	sdelay $0x3  }
0x37: {  	[smem:$0x3FBA] =	sst s10  }
0x38: {  	s10 =	sld [smem:$0x3FBB]  }
0x39: {  	_ = 	snop;
	(pc) =	sbr.ind lr, $3  }
0x3a: {  	_ = 	snop  }
0x3b: {  	_ = 	snop  }
0x3c: {  	p2 =	seq.s32 s10, $0x1;
	s10 =	sld [smem:$0x3FBA]  }
0x3d: {  	_ =	shalt  }
0x3e: {  	_ =	shalt  }
0x3f: {  	_ =	shalt  }
0x40: {  	_ =	shalt  }
0x41: {  	_ =	shalt  }
0x42: {  	_ =	shalt  }
0x43: {  	_ =	shalt  }
0x44: {  	_ =	shalt  }
0x45: {  	_ =	shalt  }
0x46: {  	_ =	shalt  }
0x47: {  	_ =	shalt  }
0x48: {  	_ =	shalt  }
0x49: {  	_ =	shalt  }
0x4a: {  	_ =	shalt  }
0x4b: {  	_ =	shalt  }
0x4c: {  	_ =	shalt  }
0x4d: {  	_ =	shalt  }
0x4e: {  	_ =	shalt  }
0x4f: {  	_ =	shalt  }
0x50: {  	_ =	shalt  }
0x51: {  	_ =	shalt  }
0x52: {  	_ =	shalt  }
0x53: {  	_ =	shalt  }
0x54: {  	_ =	shalt  }
0x55: {  	_ =	shalt  }
0x56: {  	_ =	shalt  }
0x57: {  	_ =	shalt  }
0x58: {  	_ =	shalt  }
0x59: {  	_ =	shalt  }
0x5a: {  	_ =	shalt  }
0x5b: {  	_ =	shalt  }
0x5c: {  	_ =	shalt  }
0x5d: {  	_ =	shalt  }
0x5e: {  	_ =	shalt  }
0x5f: {  	_ =	shalt  }
0x60: {  	_ =	shalt  }
0x61: {  	_ =	shalt  }
0x62: {  	_ =	shalt  }
0x63: {  	_ =	shalt  }
0x64: {  	_ =	shalt  }
0x65: {  	_ =	shalt  }
0x66: {  	_ =	shalt  }
0x67: {  	_ =	shalt  }
0x68: {  	_ =	shalt  }
0x69: {  	_ =	shalt  }
0x6a: {  	_ =	shalt  }
0x6b: {  	_ =	shalt  }
0x6c: {  	_ =	shalt  }
0x6d: {  	_ =	shalt  }
0x6e: {  	_ =	shalt  }
0x6f: {  	_ =	shalt  }
0x70: {  	_ =	shalt  }
0x71: {  	_ =	shalt  }
0x72: {  	_ =	shalt  }
0x73: {  	_ =	shalt  }
0x74: {  	_ =	shalt  }
0x75: {  	_ =	shalt  }
0x76: {  	_ =	shalt  }
0x77: {  	_ =	shalt  }
0x78: {  	_ =	shalt  }
0x79: {  	_ =	shalt  }
0x7a: {  	_ =	shalt  }
0x7b: {  	_ =	shalt  }
0x7c: {  	_ =	shalt  }
0x7d: {  	_ =	shalt  }
0x7e: {  	_ =	shalt  }
0x7f: {  	_ =	shalt  }
0x80: {  	_ =	shalt  }
0x81: {  	_ =	shalt  }
0x82: {  	_ =	shalt  }
0x83: {  	_ =	shalt  }
0x84: {  	_ =	shalt  }
0x85: {  	_ =	shalt  }
0x86: {  	_ =	shalt  }
0x87: {  	_ =	shalt  }
.Lfunc_end0:
.L_simem_size_0:
called_computation_lowered:
.L_overlay_start_0:
0x88: {  	s2 =	sld [smem:$0x3FD9]  }
0x89: {  	s3 =	sld [smem:$0x3FFE];
	_ =	sdelay $0x1  }
0x8a: {  	s1 =	srdreg.scid  }
0x8b: {  	s0 =	sand.u32 $0x1, s1  }
0x8c: {  	s17 =	sshll.u32 s0, $0xA;
	s2 =	sadd.s32 s3, s2  }
0x8d: {  	s2 =	sadd.s32 s2, s17  }
0x8e: {  	[smem:$0x3FC6] =	sst s2  }
0x8f: {  	_ = 	snop  }
0x90: {  	s2 =	sld [smem:$0x3FC8]  }
0x91: {  	s18 =	sld [smem:$0x3FD0];
	(tm) =	ssettm $0x1  }
0x92: {  	s4 =	sld [smem:$0x3FFB];
	_ =	sdelay $0x3  }
0x93: {  	_ =	strace s4  }
0x94: {  	s4 =	sld [smem:$0x3FFC];
	_ =	sdelay $0x3  }
0x95: {  	_ =	strace s4  }
0x96: {  	s4 =	sld [smem:$0x3FFD];
	_ =	sdelay $0x3  }
0x97: {  	_ =	strace s4  }
0x98: {  	_ =	strace $0x8FFFFFFF  }
0x99: {  	s19 =	sld [smem:$0x3FDB];
	_ =	sdelay $0x1  }
0x9a: {  	s5 =	simm.s32 $_scs_section_size  }
0x9b: {  	s6 =	simm.s32 $_size__tile_overlayer_lowered;
	s7 =	simm.s32 $_tile_overlayer_lowered  }
0x9c: {  	s22 =	simm.s32 $0x1BFF;
	s21 =	sshll.u32 s7, $0x1;
	s4 =	sadd.s32 s5, s19  }
0x9d: {  	s8 =	simm.s32 $0x0;
	s20 =	sshll.u32 s6, $0x1;
	s6 =	sadd.s32 s21, s4  }
0x9e: {  	[timem:s8], [sflag:s22] =	dma.local [hbm:s6], s20  }
0x9f: {  	_ =	swait.ge [sflag:s22], s20  }
0xa0: {  	s5 =	ssub.s32 $0x0, s20;
	[sflag:s22] =	ssyncset.done $0x0  }
0xa1: {  	[sflag:s22] =	ssyncadd.s32 s5;
	_ =	sdelay $0x1  }
0xa2: {  	s23 =	simm.s32 $0x1B8B  }
0xa3: {  	_ =	swait.ge [sflag:s23], $0x1  }
0xa4: {  	[sflag:s23] =	ssyncset.done $0x0  }
0xa5: {  	s25 =	simm.s32 $0x1B8E;
	s24 =	sld [smem:$0x3FFE];
	[sflag:s23] =	ssyncadd.s32 $0xFFFFFFFF  }
0xa6: {  	s26 =	simm.s32 $execute0_lowered;
	[smem:$0x3FD2] =	sst s25  }
0xa7: {  	s6 =	sshll.u32 s26, $0x1;
	_ =	strace $0x80000046;
	[dreg:$0x1] =	wrdreg $0xFFFFFFFF  }
0xa8: {  	s28 =	simm.s32 $_size_execute0_lowered;
	s4 =	sadd.s32 s4, s6;
	[dreg:$0x0] =	wrdreg $0x0  }
0xa9: {  	s6 =	sshll.u32 s28, $0x1;
	[dreg:$0x2] =	wrdreg s4  }
0xaa: {  	[dreg:$0x3] =	wrdreg s6  }
0xab: {  	[dreg:$0x4] =	wrdreg $0xC0  }
0xac: {  	_ =	task [dreg:s8], $0x5FFFF  }
0xad: {  	[dreg:$0x1] =	wrdreg $0xFFFFFFFF  }
0xae: {  	[dreg:$0x0] =	wrdreg $0x60  }
0xaf: {  	[dreg:$0x2] =	wrdreg s24  }
0xb0: {  	[dreg:$0x3] =	wrdreg s2  }
0xb1: {  	[dreg:$0x4] =	wrdreg s18  }
0xb2: {  	[dreg:$0x5] =	wrdreg $0x9  }
0xb3: {  	_ =	task.clear_ibuf [dreg:s8], $0x6FFFF;
	_ =	strace $0x90000046  }
0xb4: {  	s29 =	simm.s32 $0x9;
	_ =	strace $0x80000048  }
0xb5: {  	_ =	swait.ge [sflag:s29], $0x1  }
0xb6: {  	[sflag:s29] =	ssyncadd.s32 $0xFFFFFFFF  }
0xb7: {  	_ =	strace $0x90000048  }
0xb8: {  	_ =	sfence  }
0xb9: {  	s30 =	sld [smem:$0x0];
	_ =	sdelay $0x2  }
0xba: {  	s31 =	sshll.u32 s1, $0xD;
	s1 =	sshrl.u32 s1, $0x2  }
0xbb: {  	s3 =	sand.u32 $0x4000, s31;
	s1 =	sadd.s32 s1, s30  }
0xbc: {  	s0 =	sor.u32 s3, s0;
	s1 =	sshll.u32 s1, $0x11  }
0xbd: {  	s0 =	sor.u32 s1, s0  }
0xbe: {  	s0 =	sadd.s32 $0x8F2B, s0  }
0xbf: {  	[sflag:s0] =	ssyncadd.remote.s32 $0x1  }
0xc0: {  	_ =	sfence.sel $0xFFFF  }
0xc1: {  	[dreg:$0x0] =	wrdreg $0xFFFFFFFF;
	(pc) =	sbr.abs _section_cstart, $3  }
0xc2: {  	[dreg:$0x1] =	wrdreg $0xFFFFFFFF  }
0xc3: {  	_ =	task.clear_ibuf [dreg:s8], $0x2FFFF;
	_ =	strace $0x9FFFFFFF  }
0xc4: {  	(tm) =	ssettm $0x7FFFFFFF  }
0xc5: {  	_ =	shalt  }
tec
execute0_lowered:
.L_overlay_start_1:
0x0: {  	(tag) =	ssettag $0x1  }
0x1: {  	s0 =	rddreg [dreg:$0x0];
	s1 =	srdreg.scid  }
0x2: {  	s3 =	stileid.u32;
	s2 =	rddreg [dreg:$0x1]  }
0x3: {  	s10 =	simm.s32 $0xA400;
	s12 =	simm.s32 $0xE400;
	s14 =	simm.s32 $0x12400  }
0x4: {  	s15 =	simm.s32 $0x16400;
	s16 =	simm.s32 $0x1;
	s17 =	simm.s32 $0x2  }
0x5: {  	s18 =	simm.s32 $0x3;
	s19 =	simm.s32 $0x4;
	s20 =	simm.s32 $0x5  }
0x6: {  	s21 =	simm.s32 $0x6;
	s22 =	simm.s32 $0x7;
	s23 =	simm.s32 $0x8  }
0x7: {  	s24 =	simm.s32 $0x9;
	s25 =	simm.s32 $0xA;
	s6 =	smul.u32 $0x190, s3  }
0x8: {  	s1 =	sand.u32 $0x1, s1;
	s4 =	sshll.u32 s3, $0x1;
	s8 =	smul.u32 $0xC8000, s3  }
0x9: {  	s5 =	sor.u32 s1, s4;
	s4 =	simm.s32 $0x0;
	s7 =	smul.u32 $0xC8, s1  }
0xa: {  	s26 =	ssub.s32 $0x2, s1;
	s1 =	smul.u32 $0x64000, s1;
	[smem:$0x7FF] =	sst s4  }
0xb: {  	s5 =	smul.u32 $0xC80, s5;
	s9 =	sshrl.u32 s26, $0x1;
	_ =	strace $0x80000047  }
0xc: {  	s6 =	sadd.s32 s7, s6;
	s28 =	ssub.s32 s26, s9;
	s31 =	sadd.s32 s1, s8  }
0xd: {  	s7 =	simm.s32 $0xB;
	s30 =	smax.u32 s28, $0x1;
	[dreg:$0x4] =	wrdreg s31  }
0xe: {  	s0 =	sadd.s32 s5, s0;
	s29 =	sshll.u32 s6, $0xB;
	[dreg:$0x7] =	wrdreg s30  }
0xf: {  	s8 =	simm.s32 $0x80;
	s0 =	sadd.s32 $0x400, s0;
	[dreg:$0x5] =	wrdreg s29  }
0x10: {  	s9 =	simm.s32 $0x6400;
	s26 =	simm.s32 $0x0;
	[dreg:$0x6] =	wrdreg s0  }
.LBB2_1:
0x11: {  	s0 =	rddreg [dreg:$0x6]  }
0x12: {  	[tilespmem:s4], [sflag:$0xB] =	stream.linear.gather [hbm4b:s0+s4], $0x6400, $0x38;
	[tilespmem:$0x1A400] =	vst v63  }
0x13: {  	_ =	swait.ge [sflag:s7], $0x6400  }
0x14: {  	[sflag:s7] =	ssyncset.done $0x0  }
0x15: {  	[sflag:s7] =	ssyncadd.s32 $0xFFFF9C00  }
0x16: {  	[tilespmem:s9], [sflag:$0x1] =	stream.indirect.gather [hbm4b:s2+s8], $0x80, s4, s8, $0xb8;
	[tilespmem:$0x1A400] =	vst v63  }
0x17: {  	_ = 	snop  }
0x18: {  	[tilespmem:s10], [sflag:$0x2] =	stream.indirect.gather [hbm4b:s2+s8], $0x80, s8, s8, $0xb8;
	[tilespmem:$0x1A400] =	vst v63  }
0x19: {  	s11 =	simm.s32 $0x100;
	p0 =	por $0x1, $0x1  }
0x1a: {  	[tilespmem:s12], [sflag:$0x3] =	stream.indirect.gather [hbm4b:s2+s8], $0x80, s11, s8, $0xb8;
	[tilespmem:$0x1A400] =	vst v63  }
0x1b: {  	s13 =	simm.s32 $0x180;
	s0 =	simm.s32 @!p0 $0xA  }
0x1c: {  	[tilespmem:s14], [sflag:$0x4] =	stream.indirect.gather [hbm4b:s2+s8], $0x80, s13, s8, $0xb8;
	[tilespmem:$0x1A400] =	vst v63  }
0x1d: {  	_ =	swait.ge @!p0 [sflag:s0], $0x4000  }
0x1e: {  	[sflag:s0] =	ssyncset.done @!p0 $0x0  }
0x1f: {  	s1 =	simm.s32 $0x200;
	[sflag:s0] =	ssyncadd.s32 @!p0 $0xFFFFC000  }
0x20: {  	[tilespmem:s15], [sflag:$0x5] =	stream.indirect.gather [hbm4b:s2+s8], $0x80, s1, s8, $0xb8;
	[tilespmem:$0x1A400] =	vst v63  }
0x21: {  	_ =	swait.ge [sflag:s16], $0x4000  }
0x22: {  	[sflag:s16] =	ssyncset.done $0x0  }
0x23: {  	s1 =	rddreg [dreg:$0x4];
	[sflag:s16] =	ssyncadd.s32 $0xFFFFC000  }
0x24: {  	p0 =	por $0x0, $0x0;
	s3 =	rddreg [dreg:$0x2]  }
0x25: {  	s0 =	sadd.s32 s3, s1;
	s1 =	simm.s32 @!p0 $0x6  }
0x26: {  	[hbm4b:s0+s4] =	stream.linear.scatter [tilespmem:s9], [sflag:$0x6], $0x4000, $0x38;
	[tilespmem:$0x1A400] =	vst v63  }
0x27: {  	_ =	swait.ge @!p0 [sflag:s1], $0x4000  }
0x28: {  	s28 =	simm.s32 @!p0 $0x80;
	[sflag:s1] =	ssyncset.done @!p0 $0x0  }
0x29: {  	s29 =	simm.s32 @!p0 $0x6400;
	s0 =	simm.s32 @!p0 $0x280;
	[sflag:s1] =	ssyncadd.s32 @!p0 $0xFFFFC000  }
0x2a: {  	[tilespmem:s29], [sflag:$0x1] =	stream.indirect.gather @!p0 [hbm4b:s2+s28], $0x80, s0, s28, $0xb8;
	[tilespmem:$0x1A400] =	vst v63  }
0x2b: {  	_ =	swait.ge [sflag:s17], $0x4000  }
0x2c: {  	s5 =	rddreg [dreg:$0x5]  }
0x2d: {  	[sflag:s17] =	ssyncset.done $0x0;
	s0 =	sadd.s32 s3, s5  }
0x2e: {  	s29 =	simm.s32 @!p0 $0x7;
	[sflag:s17] =	ssyncadd.s32 $0xFFFFC000;
	s6 =	sadd.s32 $0x800, s0  }
0x2f: {  	[hbm4b:s6+s4] =	stream.linear.scatter [tilespmem:s10], [sflag:$0x7], $0x4000, $0x38;
	[tilespmem:$0x1A400] =	vst v63  }
0x30: {  	_ =	swait.ge @!p0 [sflag:s29], $0x4000  }
0x31: {  	[sflag:s29] =	ssyncset.done @!p0 $0x0  }
0x32: {  	s1 =	simm.s32 @!p0 $0x300;
	[sflag:s29] =	ssyncadd.s32 @!p0 $0xFFFFC000;
	s29 =	simm.s32 @!p0 $0xA400  }
0x33: {  	[tilespmem:s29], [sflag:$0x2] =	stream.indirect.gather @!p0 [hbm4b:s2+s28], $0x80, s1, s28, $0xb8;
	[tilespmem:$0x1A400] =	vst v63  }
0x34: {  	_ =	swait.ge [sflag:s18], $0x4000  }
0x35: {  	[sflag:s18] =	ssyncset.done $0x0  }
0x36: {  	s11 =	sadd.s32 $0x1000, s0;
	s29 =	simm.s32 @!p0 $0x8;
	[sflag:s18] =	ssyncadd.s32 $0xFFFFC000  }
0x37: {  	[hbm4b:s11+s4] =	stream.linear.scatter [tilespmem:s12], [sflag:$0x8], $0x4000, $0x38;
	[tilespmem:$0x1A400] =	vst v63  }
0x38: {  	_ =	swait.ge @!p0 [sflag:s29], $0x4000  }
0x39: {  	[sflag:s29] =	ssyncset.done @!p0 $0x0  }
0x3a: {  	s1 =	simm.s32 @!p0 $0x380;
	[sflag:s29] =	ssyncadd.s32 @!p0 $0xFFFFC000;
	s29 =	simm.s32 @!p0 $0xE400  }
0x3b: {  	[tilespmem:s29], [sflag:$0x3] =	stream.indirect.gather @!p0 [hbm4b:s2+s28], $0x80, s1, s28, $0xb8;
	[tilespmem:$0x1A400] =	vst v63  }
0x3c: {  	_ =	swait.ge [sflag:s19], $0x4000  }
0x3d: {  	[sflag:s19] =	ssyncset.done $0x0  }
0x3e: {  	s13 =	sadd.s32 $0x1800, s0;
	s29 =	simm.s32 @!p0 $0x9;
	[sflag:s19] =	ssyncadd.s32 $0xFFFFC000  }
0x3f: {  	[hbm4b:s13+s4] =	stream.linear.scatter [tilespmem:s14], [sflag:$0x9], $0x4000, $0x38;
	[tilespmem:$0x1A400] =	vst v63  }
0x40: {  	s30 =	simm.s32 $0x1400;
	_ =	swait.ge @!p0 [sflag:s29], $0x4000  }
0x41: {  	p1 =	por $0x0, $0x0;
	s31 =	sadd.s32 $0x2000, s0;
	[sflag:s29] =	ssyncset.done @!p0 $0x0  }
0x42: {  	s1 =	simm.s32 @!p0 $0x400;
	[sflag:s29] =	ssyncadd.s32 @!p0 $0xFFFFC000;
	s29 =	simm.s32 @!p0 $0x12400  }
0x43: {  	[tilespmem:s29], [sflag:$0x4] =	stream.indirect.gather @!p0 [hbm4b:s2+s28], $0x80, s1, s28, $0xb8;
	[tilespmem:$0x1A400] =	vst v63  }
0x44: {  	s29 =	simm.s32 $0xA00;
	s28 =	sadd.s32 $0x2800, s3;
	_ =	swait.ge [sflag:s20], $0x4000  }
.LBB2_2:
0x45: {  	[sflag:s20] =	ssyncset.done $0x0  }
0x46: {  	s0 =	simm.s32 @!p1 $0xA;
	[sflag:s20] =	ssyncadd.s32 $0xFFFFC000  }
0x47: {  	[hbm4b:s31+s4] =	stream.linear.scatter [tilespmem:s15], [sflag:$0xA], $0x4000, $0x38;
	[tilespmem:$0x1A400] =	vst v63  }
0x48: {  	_ =	swait.ge @!p1 [sflag:s0], $0x4000  }
0x49: {  	s1 =	sshra.s32 s29, $0x2;
	[sflag:s0] =	ssyncset.done @!p1 $0x0  }
0x4a: {  	s1 =	sadd.s32 $0x200, s1;
	[sflag:s0] =	ssyncadd.s32 @!p1 $0xFFFFC000  }
0x4b: {  	[tilespmem:s15], [sflag:$0x5] =	stream.indirect.gather [hbm4b:s2+s8], $0x80, s1, s8, $0xb8;
	[tilespmem:$0x1A400] =	vst v63  }
0x4c: {  	_ =	swait.ge [sflag:s16], $0x4000  }
0x4d: {  	p1 =	seq.s32 s29, $0x18600;
	s6 =	rddreg [dreg:$0x4];
	[sflag:s16] =	ssyncset.done $0x0  }
0x4e: {  	s31 =	simm.s32 @!p1 $0x6;
	[sflag:s16] =	ssyncadd.s32 $0xFFFFC000;
	s0 =	sadd.s32 s28, s6  }
0x4f: {  	[hbm4b:s0+s4] =	stream.linear.scatter [tilespmem:s9], [sflag:$0x6], $0x4000, $0x38;
	[tilespmem:$0x1A400] =	vst v63  }
0x50: {  	s11 =	smov.u32 s30;
	_ =	swait.ge @!p1 [sflag:s31], $0x4000  }
0x51: {  	s29 =	sshra.s32 @!p1 s29, $0x2;
	s1 =	simm.s32 @!p1 $0x80;
	[sflag:s31] =	ssyncset.done @!p1 $0x0  }
0x52: {  	s13 =	sadd.s32 @!p1 $0x280, s29;
	s6 =	simm.s32 @!p1 $0x6400;
	[sflag:s31] =	ssyncadd.s32 @!p1 $0xFFFFC000  }
0x53: {  	[tilespmem:s6], [sflag:$0x1] =	stream.indirect.gather @!p1 [hbm4b:s2+s1], $0x80, s13, s1, $0xb8;
	[tilespmem:$0x1A400] =	vst v63  }
0x54: {  	s5 =	sadd.s32 @!p1 $0x300, s29;
	s3 =	sadd.s32 @!p1 $0x380, s29;
	_ =	swait.ge [sflag:s17], $0x4000  }
0x55: {  	s0 =	sadd.s32 @!p1 $0x400, s29;
	s29 =	smov.u32 s11;
	s11 =	rddreg [dreg:$0x5]  }
0x56: {  	[sflag:s17] =	ssyncset.done $0x0;
	s6 =	sadd.s32 s28, s11  }
0x57: {  	s13 =	simm.s32 @!p1 $0x7;
	[sflag:s17] =	ssyncadd.s32 $0xFFFFC000;
	s11 =	sadd.s32 $0x800, s6  }
0x58: {  	[hbm4b:s11+s4] =	stream.linear.scatter [tilespmem:s10], [sflag:$0x7], $0x4000, $0x38;
	[tilespmem:$0x1A400] =	vst v63  }
0x59: {  	_ =	swait.ge @!p1 [sflag:s13], $0x4000  }
0x5a: {  	[sflag:s13] =	ssyncset.done @!p1 $0x0  }
0x5b: {  	s11 =	simm.s32 @!p1 $0xA400;
	[sflag:s13] =	ssyncadd.s32 @!p1 $0xFFFFC000  }
0x5c: {  	[tilespmem:s11], [sflag:$0x2] =	stream.indirect.gather @!p1 [hbm4b:s2+s1], $0x80, s5, s1, $0xb8;
	[tilespmem:$0x1A400] =	vst v63  }
0x5d: {  	_ =	swait.ge [sflag:s18], $0x4000  }
0x5e: {  	[sflag:s18] =	ssyncset.done $0x0  }
0x5f: {  	s13 =	sadd.s32 $0x1000, s6;
	s11 =	simm.s32 @!p1 $0x8;
	[sflag:s18] =	ssyncadd.s32 $0xFFFFC000  }
0x60: {  	[hbm4b:s13+s4] =	stream.linear.scatter [tilespmem:s12], [sflag:$0x8], $0x4000, $0x38;
	[tilespmem:$0x1A400] =	vst v63  }
0x61: {  	_ =	swait.ge @!p1 [sflag:s11], $0x4000  }
0x62: {  	[sflag:s11] =	ssyncset.done @!p1 $0x0  }
0x63: {  	s5 =	simm.s32 @!p1 $0xE400;
	[sflag:s11] =	ssyncadd.s32 @!p1 $0xFFFFC000  }
0x64: {  	[tilespmem:s5], [sflag:$0x3] =	stream.indirect.gather @!p1 [hbm4b:s2+s1], $0x80, s3, s1, $0xb8;
	[tilespmem:$0x1A400] =	vst v63  }
0x65: {  	s30 =	sadd.s32 $0xA00, s30;
	_ =	swait.ge [sflag:s19], $0x4000  }
0x66: {  	p0 =	sne.s32 s30, $0x19000;
	[sflag:s19] =	ssyncset.done $0x0  }
0x67: {  	s13 =	sadd.s32 $0x1800, s6;
	s5 =	simm.s32 @!p1 $0x9;
	[sflag:s19] =	ssyncadd.s32 $0xFFFFC000  }
0x68: {  	[hbm4b:s13+s4] =	stream.linear.scatter [tilespmem:s14], [sflag:$0x9], $0x4000, $0x38;
	[tilespmem:$0x1A400] =	vst v63  }
.Ltmp0:
0x69: {  	_ =	swait.ge @!p1 [sflag:s5], $0x4000;
	(pc) =	sbr.rel @p0 .LBB2_2-.Ltmp0, $4  }
0x6a: {  	[sflag:s5] =	ssyncset.done @!p1 $0x0  }
0x6b: {  	s28 =	sadd.s32 $0x2800, s28;
	s3 =	simm.s32 @!p1 $0x12400;
	[sflag:s5] =	ssyncadd.s32 @!p1 $0xFFFFC000  }
0x6c: {  	[tilespmem:s3], [sflag:$0x4] =	stream.indirect.gather @!p1 [hbm4b:s2+s1], $0x80, s0, s1, $0xb8;
	[tilespmem:$0x1A400] =	vst v63  }
0x6d: {  	s31 =	sadd.s32 $0x2000, s6;
	p1 =	seq.s32 s29, $0x0;
	_ =	swait.ge [sflag:s20], $0x4000  }
0x6e: {  	[sflag:s20] =	ssyncset.done $0x0  }
0x6f: {  	s0 =	simm.s32 @!p1 $0xA;
	[sflag:s20] =	ssyncadd.s32 $0xFFFFC000  }
0x70: {  	[hbm4b:s31+s4] =	stream.linear.scatter [tilespmem:s15], [sflag:$0xA], $0x4000, $0x38;
	[tilespmem:$0x1A400] =	vst v63  }
0x71: {  	_ =	swait.ge @!p1 [sflag:s0], $0x4000  }
0x72: {  	s1 =	sshra.s32 s29, $0x2;
	[sflag:s0] =	ssyncset.done @!p1 $0x0  }
0x73: {  	s1 =	sadd.s32 $0x200, s1;
	[sflag:s0] =	ssyncadd.s32 @!p1 $0xFFFFC000  }
0x74: {  	[tilespmem:s15], [sflag:$0x5] =	stream.indirect.gather [hbm4b:s2+s8], $0x80, s1, s8, $0xb8;
	[tilespmem:$0x1A400] =	vst v63  }
0x75: {  	_ =	swait.ge [sflag:s16], $0x4000  }
0x76: {  	p0 =	seq.s32 s29, $0x18600;
	s6 =	rddreg [dreg:$0x4];
	[sflag:s16] =	ssyncset.done $0x0  }
0x77: {  	s1 =	simm.s32 @!p0 $0x6;
	[sflag:s16] =	ssyncadd.s32 $0xFFFFC000;
	s0 =	sadd.s32 s28, s6  }
0x78: {  	[hbm4b:s0+s4] =	stream.linear.scatter [tilespmem:s9], [sflag:$0x6], $0x4000, $0x38;
	[tilespmem:$0x1A400] =	vst v63  }
0x79: {  	_ =	swait.ge @!p0 [sflag:s1], $0x4000  }
0x7a: {  	s5 =	simm.s32 @!p0 $0x80;
	s0 =	sshra.s32 @!p0 s29, $0x2;
	[sflag:s1] =	ssyncset.done @!p0 $0x0  }
0x7b: {  	s3 =	sadd.s32 @!p0 $0x280, s0;
	[sflag:s1] =	ssyncadd.s32 @!p0 $0xFFFFC000;
	s1 =	simm.s32 @!p0 $0x6400  }
0x7c: {  	[tilespmem:s1], [sflag:$0x1] =	stream.indirect.gather @!p0 [hbm4b:s2+s5], $0x80, s3, s5, $0xb8;
	[tilespmem:$0x1A400] =	vst v63  }
0x7d: {  	_ =	swait.ge [sflag:s17], $0x4000  }
0x7e: {  	s11 =	rddreg [dreg:$0x5]  }
0x7f: {  	[sflag:s17] =	ssyncset.done $0x0;
	s1 =	sadd.s32 s28, s11  }
0x80: {  	s6 =	simm.s32 @!p0 $0x7;
	[sflag:s17] =	ssyncadd.s32 $0xFFFFC000;
	s13 =	sadd.s32 $0x800, s1  }
0x81: {  	[hbm4b:s13+s4] =	stream.linear.scatter [tilespmem:s10], [sflag:$0x7], $0x4000, $0x38;
	[tilespmem:$0x1A400] =	vst v63  }
0x82: {  	_ =	swait.ge @!p0 [sflag:s6], $0x4000  }
0x83: {  	[sflag:s6] =	ssyncset.done @!p0 $0x0  }
0x84: {  	s3 =	sadd.s32 @!p0 $0x300, s0;
	[sflag:s6] =	ssyncadd.s32 @!p0 $0xFFFFC000;
	s6 =	simm.s32 @!p0 $0xA400  }
0x85: {  	[tilespmem:s6], [sflag:$0x2] =	stream.indirect.gather @!p0 [hbm4b:s2+s5], $0x80, s3, s5, $0xb8;
	[tilespmem:$0x1A400] =	vst v63  }
0x86: {  	_ =	swait.ge [sflag:s18], $0x4000  }
0x87: {  	[sflag:s18] =	ssyncset.done $0x0  }
0x88: {  	s28 =	sadd.s32 $0x1000, s1;
	s6 =	simm.s32 @!p0 $0x8;
	[sflag:s18] =	ssyncadd.s32 $0xFFFFC000  }
0x89: {  	[hbm4b:s28+s4] =	stream.linear.scatter [tilespmem:s12], [sflag:$0x8], $0x4000, $0x38;
	[tilespmem:$0x1A400] =	vst v63  }
0x8a: {  	_ =	swait.ge @!p0 [sflag:s6], $0x4000  }
0x8b: {  	[sflag:s6] =	ssyncset.done @!p0 $0x0  }
0x8c: {  	s3 =	sadd.s32 @!p0 $0x380, s0;
	[sflag:s6] =	ssyncadd.s32 @!p0 $0xFFFFC000;
	s6 =	simm.s32 @!p0 $0xE400  }
0x8d: {  	[tilespmem:s6], [sflag:$0x3] =	stream.indirect.gather @!p0 [hbm4b:s2+s5], $0x80, s3, s5, $0xb8;
	[tilespmem:$0x1A400] =	vst v63  }
0x8e: {  	_ =	swait.ge [sflag:s19], $0x4000  }
0x8f: {  	[sflag:s19] =	ssyncset.done $0x0  }
0x90: {  	s29 =	sadd.s32 $0x1800, s1;
	s3 =	simm.s32 @!p0 $0x9;
	[sflag:s19] =	ssyncadd.s32 $0xFFFFC000  }
0x91: {  	[hbm4b:s29+s4] =	stream.linear.scatter [tilespmem:s14], [sflag:$0x9], $0x4000, $0x38;
	[tilespmem:$0x1A400] =	vst v63  }
0x92: {  	_ =	swait.ge @!p0 [sflag:s3], $0x4000  }
0x93: {  	[sflag:s3] =	ssyncset.done @!p0 $0x0  }
0x94: {  	s0 =	sadd.s32 @!p0 $0x400, s0;
	[sflag:s3] =	ssyncadd.s32 @!p0 $0xFFFFC000;
	s3 =	simm.s32 @!p0 $0x12400  }
0x95: {  	[tilespmem:s3], [sflag:$0x4] =	stream.indirect.gather @!p0 [hbm4b:s2+s5], $0x80, s0, s5, $0xb8;
	[tilespmem:$0x1A400] =	vst v63  }
0x96: {  	_ =	swait.ge [sflag:s20], $0x4000  }
0x97: {  	[sflag:s20] =	ssyncset.done $0x0  }
0x98: {  	s30 =	sadd.s32 $0x2000, s1;
	[sflag:s20] =	ssyncadd.s32 $0xFFFFC000  }
0x99: {  	[hbm4b:s30+s4] =	stream.linear.scatter [tilespmem:s15], [sflag:$0xA], $0x4000, $0x38;
	[tilespmem:$0x1A400] =	vst v63  }
0x9a: {  	_ =	swait.ge [sflag:s21], $0x4000  }
0x9b: {  	[sflag:s21] =	ssyncset.done $0x0  }
0x9c: {  	[sflag:s21] =	ssyncadd.s32 $0xFFFFC000  }
0x9d: {  	_ =	swait.ge [sflag:s22], $0x4000  }
0x9e: {  	[sflag:s22] =	ssyncset.done $0x0  }
0x9f: {  	[sflag:s22] =	ssyncadd.s32 $0xFFFFC000  }
0xa0: {  	_ =	swait.ge [sflag:s23], $0x4000  }
0xa1: {  	[sflag:s23] =	ssyncset.done $0x0  }
0xa2: {  	[sflag:s23] =	ssyncadd.s32 $0xFFFFC000  }
0xa3: {  	_ =	swait.ge [sflag:s24], $0x4000  }
0xa4: {  	[sflag:s24] =	ssyncset.done $0x0  }
0xa5: {  	[sflag:s24] =	ssyncadd.s32 $0xFFFFC000  }
0xa6: {  	_ =	swait.ge [sflag:s25], $0x4000  }
0xa7: {  	s26 =	sadd.s32 $0x1, s26;
	s31 =	rddreg [dreg:$0x7]  }
0xa8: {  	p0 =	sne.s32 s26, s31  }
.Ltmp1:
0xa9: {  	_ = 	snop;
	(pc) =	sbr.rel @p0 .LBB2_1-.Ltmp1, $3  }
0xaa: {  	_ =	sdelay $0x1  }
0xab: {  	[sflag:s25] =	ssyncset.done $0x0  }
0xac: {  	[sflag:s25] =	ssyncadd.s32 $0xFFFFC000  }
0xad: {  	_ =	sfence.sel $0x180000  }
0xae: {  	[bflag:$0x0] =	sbarrier.arrive $0xFFFF  }
0xaf: {  	_ =	strace $0x90000047  }
0xb0: {  	s0 =	stileid.u32;
	[bflag:$0x2] =	sbarrier.arrive $0xFFFF  }
0xb1: {  	p0 =	sne.s32 s0, $0x0;
	s0 =	rddreg [dreg:$0x3]  }
0xb2: {  	s0 =	sadd.s32 @!p0 $0x100000, s0  }
0xb3: {  	[sflag:s0] =	ssyncadd.tile.s32 @!p0 $0x1;
	_ =	shalt  }
.Lfunc_end2:
_tile_overlayer_lowered:
.L_overlay_start_2:
0xb4: {  	(tag) =	ssettag $0x2  }
0xb5: {  	s0 =	rddreg [dreg:$0x0];
	s2 =	stileid.u32  }
0xb6: {  	s1 =	rddreg [dreg:$0x1];
	p0 =	sne.s32 s2, $0x0  }
0xb7: {  	s3 =	rddreg [dreg:$0x2];
	[bflag:$0x3] =	sbarrier.arrive $0xFFFF;
	s2 =	simm.s32 @!p0 $0x1C0B  }
0xb8: {  	[timem:s3], [sflag:s2] =	dma.local @!p0 [hbm:s0], s1  }
0xb9: {  	s0 =	simm.s32 @!p0 $0xB  }
0xba: {  	_ =	swait.ge @!p0 [sflag:s0], s1  }
0xbb: {  	s1 =	ssub.s32 @!p0 $0x0, s1;
	[sflag:s0] =	ssyncset.done @!p0 $0x0  }
0xbc: {  	[sflag:s0] =	ssyncadd.s32 @!p0 s1  }
0xbd: {  	[bflag:$0x3] =	sbarrier.arrive $0xFFFF  }
0xbe: {  	_ =	shalt  }

</sc_bundles>
